<compile_context>
chip_gen: v7x
topology: tpu7x:2x2x1
jax: 0.10.2.dev20260603
libtpu: 0.0.44.dev20260713+nightly
codegen_flags: <defaults>
</compile_context>

<pallas_src>
import jax
import jax.numpy as jnp
from jax import lax
from jax.experimental import pallas as pl
from jax.experimental.pallas import tpu as pltpu
from jax.experimental.pallas import tpu_sc as plsc

_NC = 2
_NS = 16
_NW = _NC * _NS

_N = 16384
_K = 100
_D = 64
_L = 16
_V = 34
_KP = 112
_P = _KP // 2
_PG = 64
_NBUF = 4
_ROWS_PER_W = _N // _NW
_HALF = _ROWS_PER_W // 2
_ROUNDS = _ROWS_PER_W // _NBUF


def _body(idx_hbm, table_hbm, out_hbm,
          idx_h, pidx_v, rows_v, table_v, pairbuf, pair_sh, gsem, ssem):
    cid = lax.axis_index("c")
    sid = lax.axis_index("s")
    wid = sid * _NC + cid
    o0 = wid * _ROWS_PER_W

    pltpu.sync_copy(table_hbm, table_v)

    def build_block(i):
        ti = [table_v[i, pl.ds(k * _L, _L)] for k in range(_D // _L)]

        def fill(r, carry):
            for k in range(_D // _L):
                pairbuf[r, pl.ds(k * _L, _L)] = ti[k]
                pairbuf[r, pl.ds(_D + k * _L, _L)] = table_v[
                    r, pl.ds(k * _L, _L)
                ]
            return carry

        lax.fori_loop(0, _V, fill, 0)
        pltpu.sync_copy(pairbuf, pair_sh.at[pl.ds(i * _V, _V)])

    build_block(sid)
    build_block(sid + _NS)

    @pl.when(sid < _V - 2 * _NS)
    def _third():
        build_block(sid + 2 * _NS)

    lanes = lax.iota(jnp.int32, _L)

    def compute_half(h):
        pltpu.sync_copy(
            idx_hbm.at[pl.ds((o0 + h * _HALF) * _KP, _HALF * _KP)],
            idx_h.at[pl.ds(0, _HALF * _KP)],
        )

        def one_row(q, carry):
            for k in range(_PG // _L):
                base = q * _KP + 2 * k * _L
                a = plsc.load_gather(idx_h, [base + 2 * lanes])
                bb = plsc.load_gather(idx_h, [base + 2 * lanes + 1])
                pidx_v[h * _HALF + q, pl.ds(k * _L, _L)] = a * _V + bb
            return carry

        lax.fori_loop(0, _HALF, one_row, 0)

    compute_half(0)
    compute_half(1)

    plsc.subcore_barrier()

    def gather(g, b):
        return pltpu.make_async_copy(
            pair_sh.at[pidx_v.at[g, pl.ds(0, _P)]], rows_v.at[b], gsem.at[b]
        )

    def scatter(g, b):
        return pltpu.make_async_copy(
            rows_v.at[b, pl.ds(0, _K // 2)],
            out_hbm.at[pl.ds((o0 + g) * (_K // 2), _K // 2)],
            ssem.at[b],
        )

    for b in range(_NBUF):
        gather(b, b).start()

    def round_body(r, carry):
        for b in range(_NBUF):
            g = r * _NBUF + b
            gather(g, b).wait()
            scatter(g, b).start()

            @pl.when(r < _ROUNDS - 1)
            def _refill():
                scatter(g, b).wait()
                gather(g + _NBUF, b).start()

        return carry

    lax.fori_loop(0, _ROUNDS, round_body, 0)
    for b in range(_NBUF):
        scatter((_ROUNDS - 1) * _NBUF + b, b).wait()


def kernel(f_idx, emb_f):
    idx_p = jnp.pad(f_idx.astype(jnp.int32), ((0, 0), (0, _KP - _K)))
    run = pl.kernel(
        _body,
        mesh=plsc.VectorSubcoreMesh(core_axis_name="c", subcore_axis_name="s"),
        out_type=jax.ShapeDtypeStruct((_N * _K // 2, 2 * _D), jnp.float32),
        scratch_types=[
            pltpu.VMEM((_HALF * _KP + _L,), jnp.int32),
            pltpu.VMEM((_ROWS_PER_W, _PG), jnp.int32),
            pltpu.VMEM((_NBUF, _P, 2 * _D), jnp.float32),
            pltpu.VMEM((_V, _D), jnp.float32),
            pltpu.VMEM((_V, 2 * _D), jnp.float32),
            pltpu.VMEM_SHARED((_V * _V, 2 * _D), jnp.float32),
            pltpu.SemaphoreType.DMA((_NBUF,)),
            pltpu.SemaphoreType.DMA((_NBUF,)),
        ],
        compiler_params=pltpu.CompilerParams(
            use_tc_tiling_on_sc=False, needs_layout_passes=False
        ),
    )
    out2 = run(idx_p.reshape(_N * _KP), emb_f)
    return out2.reshape(_N, _K, _D)

# --- scband reference (transcript-rebuilt; emitter-appended) ---
"""Pipeline reference for scband-feature-embedding-53154515255327 (READ-ONLY COPY).

The authoritative reference and input builder live on the scoring server;
editing this copy changes nothing except your own understanding.
"""

import jax, jax.numpy as jnp
import numpy as np


def setup_inputs(seed: int = 0) -> dict:
    key = jax.random.key(seed)
    k_idx, k_w = jax.random.split(key)
    f_idx = jax.random.randint(k_idx, (16384, 100), 0, 34, dtype=jnp.int64 if jax.config.jax_enable_x64 else jnp.int32)
    # nn.Embedding default init: N(0, 1)
    emb_f = jax.random.normal(k_w, (34, 64), dtype=jnp.float32)
    return {"f_idx": f_idx, "emb_f": emb_f}


def reference(f_idx, emb_f):
    # emb_out = self.emb_f(f_idx)
    emb_out = jnp.take(emb_f, f_idx, axis=0)
    return emb_out

if __name__ == "__main__":
    import jax
    _d = setup_inputs()
    print(jax.jit(kernel)(*tuple(_d.values())))

</pallas_src>

<mosaic_0001>
#map = affine_map<(d0, d1) -> (0)>
#map1 = affine_map<(d0, d1) -> (0, 0)>
module attributes {stable_mosaic.version = 14 : i64} {
  func.func @_body(%arg0: i32, %arg1: i32, %arg2: memref<1835008xi32, #tpu.memory_space<hbm>>, %arg3: memref<34x64xf32, #tpu.memory_space<hbm>>, %arg4: memref<819200x128xf32, #tpu.memory_space<hbm>>, %arg5: memref<28688xi32, #tpu.memory_space<vmem>>, %arg6: memref<512x64xi32, #tpu.memory_space<vmem>>, %arg7: memref<4x56x128xf32, #tpu.memory_space<vmem>>, %arg8: memref<34x64xf32, #tpu.memory_space<vmem>>, %arg9: memref<34x128xf32, #tpu.memory_space<vmem>>, %arg10: memref<1156x128xf32, #tpu.memory_space<vmem_shared>>, %arg11: memref<4x!tpu.dma_semaphore, #tpu.memory_space<semaphore_mem>>, %arg12: memref<4x!tpu.dma_semaphore, #tpu.memory_space<semaphore_mem>>) attributes {dimension_semantics = [#tpu.dimension_semantics<core_parallel>, #tpu.dimension_semantics<subcore_parallel>], iteration_bounds = array<i64: 2, 16>, scalar_prefetch = 0 : i64, scratch_operands = 8 : i64, tpu.core_type = #tpu.core_type<sc_vector_subcore>, window_params = [{transform_indices = #map}, {transform_indices = #map1}, {transform_indices = #map1}]} {
    %mul3A = arith.constant 2 : i32
    %mul3A_0 = arith.muli %arg1, %mul3A : i32
    %add3A = arith.addi %mul3A_0, %arg0 : i32
    %mul3A_1 = arith.constant 512 : i32
    %mul3A_2 = arith.muli %add3A, %mul3A_1 : i32
    "tpu.region"() ({
      %run_scoped3A = tpu.sem_alloc : memref<!tpu.dma_semaphore, #tpu.memory_space<semaphore_mem>>
      tpu.enqueue_dma source(%arg3 : memref<34x64xf32, #tpu.memory_space<hbm>>) target(%arg8 : memref<34x64xf32, #tpu.memory_space<vmem>>) target_semaphore(%run_scoped3A : memref<!tpu.dma_semaphore, #tpu.memory_space<semaphore_mem>>)
      tpu.wait_dma2 semaphore(%run_scoped3A : memref<!tpu.dma_semaphore, #tpu.memory_space<semaphore_mem>>) src(%arg3 : memref<34x64xf32, #tpu.memory_space<hbm>>) dst(%arg8 : memref<34x64xf32, #tpu.memory_space<vmem>>)
      tpu.yield
    }) : () -> ()
    %get3A = arith.index_cast %arg1 : i32 to index
    %get3A_3 = arith.constant 0 : index
    %get3A_4 = tpu.vector_load %arg8[%get3A, %get3A_3] {strides = array<i32>} : memref<34x64xf32, #tpu.memory_space<vmem>>, vector<16xf32>,
    %get3A_5 = arith.index_cast %arg1 : i32 to index
    %get3A_6 = arith.constant 16 : index
    %get3A_7 = tpu.vector_load %arg8[%get3A_5, %get3A_6] {strides = array<i32>} : memref<34x64xf32, #tpu.memory_space<vmem>>, vector<16xf32>,
    %get3A_8 = arith.index_cast %arg1 : i32 to index
    %get3A_9 = arith.constant 32 : index
    %get3A_10 = tpu.vector_load %arg8[%get3A_8, %get3A_9] {strides = array<i32>} : memref<34x64xf32, #tpu.memory_space<vmem>>, vector<16xf32>,
    %get3A_11 = arith.index_cast %arg1 : i32 to index
    %get3A_12 = arith.constant 48 : index
    %get3A_13 = tpu.vector_load %arg8[%get3A_11, %get3A_12] {strides = array<i32>} : memref<34x64xf32, #tpu.memory_space<vmem>>, vector<16xf32>,
    %scan3A = arith.constant 0 : i32
    %scan3A_14 = arith.constant 0 : i32
    %scan3A_15 = arith.constant 34 : i32
    %scan3A_16 = arith.addi %scan3A_14, %scan3A_15 : i32
    %scan3A_17 = arith.constant 1 : i32
    scf.for %scan3A_209 = %scan3A_14 to %scan3A_16 step %scan3A_17  : i32 {
      %swap3A = arith.index_cast %scan3A_209 : i32 to index
      %swap3A_210 = arith.constant 0 : index
      %swap3A_211 = tpu.vector_load %arg9[%swap3A, %swap3A_210] {strides = array<i32>} : memref<34x128xf32, #tpu.memory_space<vmem>>, vector<16xf32>,
      tpu.vector_store %arg9[%swap3A, %swap3A_210], %get3A_4 {strides = array<i32>} : memref<34x128xf32, #tpu.memory_space<vmem>>, vector<16xf32>,
      %get3A_212 = arith.index_cast %scan3A_209 : i32 to index
      %get3A_213 = arith.constant 0 : index
      %get3A_214 = tpu.vector_load %arg8[%get3A_212, %get3A_213] {strides = array<i32>} : memref<34x64xf32, #tpu.memory_space<vmem>>, vector<16xf32>,
      %swap3A_215 = arith.index_cast %scan3A_209 : i32 to index
      %swap3A_216 = arith.constant 64 : index
      %swap3A_217 = tpu.vector_load %arg9[%swap3A_215, %swap3A_216] {strides = array<i32>} : memref<34x128xf32, #tpu.memory_space<vmem>>, vector<16xf32>,
      tpu.vector_store %arg9[%swap3A_215, %swap3A_216], %get3A_214 {strides = array<i32>} : memref<34x128xf32, #tpu.memory_space<vmem>>, vector<16xf32>,
      %swap3A_218 = arith.index_cast %scan3A_209 : i32 to index
      %swap3A_219 = arith.constant 16 : index
      %swap3A_220 = tpu.vector_load %arg9[%swap3A_218, %swap3A_219] {strides = array<i32>} : memref<34x128xf32, #tpu.memory_space<vmem>>, vector<16xf32>,
      tpu.vector_store %arg9[%swap3A_218, %swap3A_219], %get3A_7 {strides = array<i32>} : memref<34x128xf32, #tpu.memory_space<vmem>>, vector<16xf32>,
      %get3A_221 = arith.index_cast %scan3A_209 : i32 to index
      %get3A_222 = arith.constant 16 : index
      %get3A_223 = tpu.vector_load %arg8[%get3A_221, %get3A_222] {strides = array<i32>} : memref<34x64xf32, #tpu.memory_space<vmem>>, vector<16xf32>,
      %swap3A_224 = arith.index_cast %scan3A_209 : i32 to index
      %swap3A_225 = arith.constant 80 : index
      %swap3A_226 = tpu.vector_load %arg9[%swap3A_224, %swap3A_225] {strides = array<i32>} : memref<34x128xf32, #tpu.memory_space<vmem>>, vector<16xf32>,
      tpu.vector_store %arg9[%swap3A_224, %swap3A_225], %get3A_223 {strides = array<i32>} : memref<34x128xf32, #tpu.memory_space<vmem>>, vector<16xf32>,
      %swap3A_227 = arith.index_cast %scan3A_209 : i32 to index
      %swap3A_228 = arith.constant 32 : index
      %swap3A_229 = tpu.vector_load %arg9[%swap3A_227, %swap3A_228] {strides = array<i32>} : memref<34x128xf32, #tpu.memory_space<vmem>>, vector<16xf32>,
      tpu.vector_store %arg9[%swap3A_227, %swap3A_228], %get3A_10 {strides = array<i32>} : memref<34x128xf32, #tpu.memory_space<vmem>>, vector<16xf32>,
      %get3A_230 = arith.index_cast %scan3A_209 : i32 to index
      %get3A_231 = arith.constant 32 : index
      %get3A_232 = tpu.vector_load %arg8[%get3A_230, %get3A_231] {strides = array<i32>} : memref<34x64xf32, #tpu.memory_space<vmem>>, vector<16xf32>,
      %swap3A_233 = arith.index_cast %scan3A_209 : i32 to index
      %swap3A_234 = arith.constant 96 : index
      %swap3A_235 = tpu.vector_load %arg9[%swap3A_233, %swap3A_234] {strides = array<i32>} : memref<34x128xf32, #tpu.memory_space<vmem>>, vector<16xf32>,
      tpu.vector_store %arg9[%swap3A_233, %swap3A_234], %get3A_232 {strides = array<i32>} : memref<34x128xf32, #tpu.memory_space<vmem>>, vector<16xf32>,
      %swap3A_236 = arith.index_cast %scan3A_209 : i32 to index
      %swap3A_237 = arith.constant 48 : index
      %swap3A_238 = tpu.vector_load %arg9[%swap3A_236, %swap3A_237] {strides = array<i32>} : memref<34x128xf32, #tpu.memory_space<vmem>>, vector<16xf32>,
      tpu.vector_store %arg9[%swap3A_236, %swap3A_237], %get3A_13 {strides = array<i32>} : memref<34x128xf32, #tpu.memory_space<vmem>>, vector<16xf32>,
      %get3A_239 = arith.index_cast %scan3A_209 : i32 to index
      %get3A_240 = arith.constant 48 : index
      %get3A_241 = tpu.vector_load %arg8[%get3A_239, %get3A_240] {strides = array<i32>} : memref<34x64xf32, #tpu.memory_space<vmem>>, vector<16xf32>,
      %swap3A_242 = arith.index_cast %scan3A_209 : i32 to index
      %swap3A_243 = arith.constant 112 : index
      %swap3A_244 = tpu.vector_load %arg9[%swap3A_242, %swap3A_243] {strides = array<i32>} : memref<34x128xf32, #tpu.memory_space<vmem>>, vector<16xf32>,
      tpu.vector_store %arg9[%swap3A_242, %swap3A_243], %get3A_241 {strides = array<i32>} : memref<34x128xf32, #tpu.memory_space<vmem>>, vector<16xf32>,
    }
    %scan3A_18 = arith.constant 34 : i32
    %mul3A_19 = arith.constant 34 : i32
    %mul3A_20 = arith.muli %arg1, %mul3A_19 : i32
    "tpu.region"() ({
      %run_scoped3A = tpu.sem_alloc : memref<!tpu.dma_semaphore, #tpu.memory_space<semaphore_mem>>
      %dma_start3A_209 = arith.constant 0 : i32
      %dma_start3A_210 = tpu.memref_slice %arg10[%mul3A_20, %dma_start3A_209] : memref<1156x128xf32, #tpu.memory_space<vmem_shared>> -> memref<34x128xf32, #tpu.memory_space<vmem_shared>>
      %dma_start3A_211 = arith.constant 0 : i32
      %dma_start3A_212 = tpu.memref_slice %arg10[%mul3A_20, %dma_start3A_211] : memref<1156x128xf32, #tpu.memory_space<vmem_shared>> -> memref<34x128xf32, #tpu.memory_space<vmem_shared>>
      tpu.enqueue_dma source(%arg9 : memref<34x128xf32, #tpu.memory_space<vmem>>) target(%dma_start3A_212 : memref<34x128xf32, #tpu.memory_space<vmem_shared>>) target_semaphore(%run_scoped3A : memref<!tpu.dma_semaphore, #tpu.memory_space<semaphore_mem>>)
      %dma_wait3A_213 = arith.constant 0 : i32
      %dma_wait3A_214 = tpu.memref_slice %arg10[%mul3A_20, %dma_wait3A_213] : memref<1156x128xf32, #tpu.memory_space<vmem_shared>> -> memref<34x128xf32, #tpu.memory_space<vmem_shared>>
      %dma_wait3A_215 = arith.constant 0 : i32
      %dma_wait3A_216 = tpu.memref_slice %arg10[%mul3A_20, %dma_wait3A_215] : memref<1156x128xf32, #tpu.memory_space<vmem_shared>> -> memref<34x128xf32, #tpu.memory_space<vmem_shared>>
      tpu.wait_dma2 semaphore(%run_scoped3A : memref<!tpu.dma_semaphore, #tpu.memory_space<semaphore_mem>>) src(%arg9 : memref<34x128xf32, #tpu.memory_space<vmem>>) dst(%dma_wait3A_216 : memref<34x128xf32, #tpu.memory_space<vmem_shared>>)
      tpu.yield
    }) : () -> ()
    %add3A_21 = arith.constant 16 : i32
    %add3A_22 = arith.addi %arg1, %add3A_21 : i32
    %get3A_23 = arith.index_cast %add3A_22 : i32 to index
    %get3A_24 = arith.constant 0 : index
    %get3A_25 = tpu.vector_load %arg8[%get3A_23, %get3A_24] {strides = array<i32>} : memref<34x64xf32, #tpu.memory_space<vmem>>, vector<16xf32>,
    %get3A_26 = arith.index_cast %add3A_22 : i32 to index
    %get3A_27 = arith.constant 16 : index
    %get3A_28 = tpu.vector_load %arg8[%get3A_26, %get3A_27] {strides = array<i32>} : memref<34x64xf32, #tpu.memory_space<vmem>>, vector<16xf32>,
    %get3A_29 = arith.index_cast %add3A_22 : i32 to index
    %get3A_30 = arith.constant 32 : index
    %get3A_31 = tpu.vector_load %arg8[%get3A_29, %get3A_30] {strides = array<i32>} : memref<34x64xf32, #tpu.memory_space<vmem>>, vector<16xf32>,
    %get3A_32 = arith.index_cast %add3A_22 : i32 to index
    %get3A_33 = arith.constant 48 : index
    %get3A_34 = tpu.vector_load %arg8[%get3A_32, %get3A_33] {strides = array<i32>} : memref<34x64xf32, #tpu.memory_space<vmem>>, vector<16xf32>,
    %scan3A_35 = arith.constant 0 : i32
    %scan3A_36 = arith.constant 0 : i32
    %scan3A_37 = arith.constant 34 : i32
    %scan3A_38 = arith.addi %scan3A_36, %scan3A_37 : i32
    %scan3A_39 = arith.constant 1 : i32
    scf.for %scan3A_209 = %scan3A_36 to %scan3A_38 step %scan3A_39  : i32 {
      %swap3A = arith.index_cast %scan3A_209 : i32 to index
      %swap3A_210 = arith.constant 0 : index
      %swap3A_211 = tpu.vector_load %arg9[%swap3A, %swap3A_210] {strides = array<i32>} : memref<34x128xf32, #tpu.memory_space<vmem>>, vector<16xf32>,
      tpu.vector_store %arg9[%swap3A, %swap3A_210], %get3A_25 {strides = array<i32>} : memref<34x128xf32, #tpu.memory_space<vmem>>, vector<16xf32>,
      %get3A_212 = arith.index_cast %scan3A_209 : i32 to index
      %get3A_213 = arith.constant 0 : index
      %get3A_214 = tpu.vector_load %arg8[%get3A_212, %get3A_213] {strides = array<i32>} : memref<34x64xf32, #tpu.memory_space<vmem>>, vector<16xf32>,
      %swap3A_215 = arith.index_cast %scan3A_209 : i32 to index
      %swap3A_216 = arith.constant 64 : index
      %swap3A_217 = tpu.vector_load %arg9[%swap3A_215, %swap3A_216] {strides = array<i32>} : memref<34x128xf32, #tpu.memory_space<vmem>>, vector<16xf32>,
      tpu.vector_store %arg9[%swap3A_215, %swap3A_216], %get3A_214 {strides = array<i32>} : memref<34x128xf32, #tpu.memory_space<vmem>>, vector<16xf32>,
      %swap3A_218 = arith.index_cast %scan3A_209 : i32 to index
      %swap3A_219 = arith.constant 16 : index
      %swap3A_220 = tpu.vector_load %arg9[%swap3A_218, %swap3A_219] {strides = array<i32>} : memref<34x128xf32, #tpu.memory_space<vmem>>, vector<16xf32>,
      tpu.vector_store %arg9[%swap3A_218, %swap3A_219], %get3A_28 {strides = array<i32>} : memref<34x128xf32, #tpu.memory_space<vmem>>, vector<16xf32>,
      %get3A_221 = arith.index_cast %scan3A_209 : i32 to index
      %get3A_222 = arith.constant 16 : index
      %get3A_223 = tpu.vector_load %arg8[%get3A_221, %get3A_222] {strides = array<i32>} : memref<34x64xf32, #tpu.memory_space<vmem>>, vector<16xf32>,
      %swap3A_224 = arith.index_cast %scan3A_209 : i32 to index
      %swap3A_225 = arith.constant 80 : index
      %swap3A_226 = tpu.vector_load %arg9[%swap3A_224, %swap3A_225] {strides = array<i32>} : memref<34x128xf32, #tpu.memory_space<vmem>>, vector<16xf32>,
      tpu.vector_store %arg9[%swap3A_224, %swap3A_225], %get3A_223 {strides = array<i32>} : memref<34x128xf32, #tpu.memory_space<vmem>>, vector<16xf32>,
      %swap3A_227 = arith.index_cast %scan3A_209 : i32 to index
      %swap3A_228 = arith.constant 32 : index
      %swap3A_229 = tpu.vector_load %arg9[%swap3A_227, %swap3A_228] {strides = array<i32>} : memref<34x128xf32, #tpu.memory_space<vmem>>, vector<16xf32>,
      tpu.vector_store %arg9[%swap3A_227, %swap3A_228], %get3A_31 {strides = array<i32>} : memref<34x128xf32, #tpu.memory_space<vmem>>, vector<16xf32>,
      %get3A_230 = arith.index_cast %scan3A_209 : i32 to index
      %get3A_231 = arith.constant 32 : index
      %get3A_232 = tpu.vector_load %arg8[%get3A_230, %get3A_231] {strides = array<i32>} : memref<34x64xf32, #tpu.memory_space<vmem>>, vector<16xf32>,
      %swap3A_233 = arith.index_cast %scan3A_209 : i32 to index
      %swap3A_234 = arith.constant 96 : index
      %swap3A_235 = tpu.vector_load %arg9[%swap3A_233, %swap3A_234] {strides = array<i32>} : memref<34x128xf32, #tpu.memory_space<vmem>>, vector<16xf32>,
      tpu.vector_store %arg9[%swap3A_233, %swap3A_234], %get3A_232 {strides = array<i32>} : memref<34x128xf32, #tpu.memory_space<vmem>>, vector<16xf32>,
      %swap3A_236 = arith.index_cast %scan3A_209 : i32 to index
      %swap3A_237 = arith.constant 48 : index
      %swap3A_238 = tpu.vector_load %arg9[%swap3A_236, %swap3A_237] {strides = array<i32>} : memref<34x128xf32, #tpu.memory_space<vmem>>, vector<16xf32>,
      tpu.vector_store %arg9[%swap3A_236, %swap3A_237], %get3A_34 {strides = array<i32>} : memref<34x128xf32, #tpu.memory_space<vmem>>, vector<16xf32>,
      %get3A_239 = arith.index_cast %scan3A_209 : i32 to index
      %get3A_240 = arith.constant 48 : index
      %get3A_241 = tpu.vector_load %arg8[%get3A_239, %get3A_240] {strides = array<i32>} : memref<34x64xf32, #tpu.memory_space<vmem>>, vector<16xf32>,
      %swap3A_242 = arith.index_cast %scan3A_209 : i32 to index
      %swap3A_243 = arith.constant 112 : index
      %swap3A_244 = tpu.vector_load %arg9[%swap3A_242, %swap3A_243] {strides = array<i32>} : memref<34x128xf32, #tpu.memory_space<vmem>>, vector<16xf32>,
      tpu.vector_store %arg9[%swap3A_242, %swap3A_243], %get3A_241 {strides = array<i32>} : memref<34x128xf32, #tpu.memory_space<vmem>>, vector<16xf32>,
    }
    %scan3A_40 = arith.constant 34 : i32
    %mul3A_41 = arith.constant 34 : i32
    %mul3A_42 = arith.muli %add3A_22, %mul3A_41 : i32
    "tpu.region"() ({
      %run_scoped3A = tpu.sem_alloc : memref<!tpu.dma_semaphore, #tpu.memory_space<semaphore_mem>>
      %dma_start3A_209 = arith.constant 0 : i32
      %dma_start3A_210 = tpu.memref_slice %arg10[%mul3A_42, %dma_start3A_209] : memref<1156x128xf32, #tpu.memory_space<vmem_shared>> -> memref<34x128xf32, #tpu.memory_space<vmem_shared>>
      %dma_start3A_211 = arith.constant 0 : i32
      %dma_start3A_212 = tpu.memref_slice %arg10[%mul3A_42, %dma_start3A_211] : memref<1156x128xf32, #tpu.memory_space<vmem_shared>> -> memref<34x128xf32, #tpu.memory_space<vmem_shared>>
      tpu.enqueue_dma source(%arg9 : memref<34x128xf32, #tpu.memory_space<vmem>>) target(%dma_start3A_212 : memref<34x128xf32, #tpu.memory_space<vmem_shared>>) target_semaphore(%run_scoped3A : memref<!tpu.dma_semaphore, #tpu.memory_space<semaphore_mem>>)
      %dma_wait3A_213 = arith.constant 0 : i32
      %dma_wait3A_214 = tpu.memref_slice %arg10[%mul3A_42, %dma_wait3A_213] : memref<1156x128xf32, #tpu.memory_space<vmem_shared>> -> memref<34x128xf32, #tpu.memory_space<vmem_shared>>
      %dma_wait3A_215 = arith.constant 0 : i32
      %dma_wait3A_216 = tpu.memref_slice %arg10[%mul3A_42, %dma_wait3A_215] : memref<1156x128xf32, #tpu.memory_space<vmem_shared>> -> memref<34x128xf32, #tpu.memory_space<vmem_shared>>
      tpu.wait_dma2 semaphore(%run_scoped3A : memref<!tpu.dma_semaphore, #tpu.memory_space<semaphore_mem>>) src(%arg9 : memref<34x128xf32, #tpu.memory_space<vmem>>) dst(%dma_wait3A_216 : memref<34x128xf32, #tpu.memory_space<vmem_shared>>)
      tpu.yield
    }) : () -> ()
    %lt3A = arith.constant 2 : i32
    %lt3A_43 = arith.cmpi slt, %arg1, %lt3A : i32
    %convert_element_type3A = arith.extui %lt3A_43 : i1 to i32
    %cond3A = arith.constant 0 : i32
    %cond3A_44 = arith.cmpi ne, %convert_element_type3A, %cond3A : i32
    scf.if %cond3A_44 {
      %add3A_209 = arith.constant 32 : i32
      %add3A_210 = arith.addi %arg1, %add3A_209 : i32
      %get3A_211 = arith.index_cast %add3A_210 : i32 to index
      %get3A_212 = arith.constant 0 : index
      %get3A_213 = tpu.vector_load %arg8[%get3A_211, %get3A_212] {strides = array<i32>} : memref<34x64xf32, #tpu.memory_space<vmem>>, vector<16xf32>,
      %get3A_214 = arith.index_cast %add3A_210 : i32 to index
      %get3A_215 = arith.constant 16 : index
      %get3A_216 = tpu.vector_load %arg8[%get3A_214, %get3A_215] {strides = array<i32>} : memref<34x64xf32, #tpu.memory_space<vmem>>, vector<16xf32>,
      %get3A_217 = arith.index_cast %add3A_210 : i32 to index
      %get3A_218 = arith.constant 32 : index
      %get3A_219 = tpu.vector_load %arg8[%get3A_217, %get3A_218] {strides = array<i32>} : memref<34x64xf32, #tpu.memory_space<vmem>>, vector<16xf32>,
      %get3A_220 = arith.index_cast %add3A_210 : i32 to index
      %get3A_221 = arith.constant 48 : index
      %get3A_222 = tpu.vector_load %arg8[%get3A_220, %get3A_221] {strides = array<i32>} : memref<34x64xf32, #tpu.memory_space<vmem>>, vector<16xf32>,
      %scan3A_223 = arith.constant 0 : i32
      %scan3A_224 = arith.constant 0 : i32
      %scan3A_225 = arith.constant 34 : i32
      %scan3A_226 = arith.addi %scan3A_224, %scan3A_225 : i32
      %scan3A_227 = arith.constant 1 : i32
      scf.for %scan3A_231 = %scan3A_224 to %scan3A_226 step %scan3A_227  : i32 {
        %swap3A = arith.index_cast %scan3A_231 : i32 to index
        %swap3A_232 = arith.constant 0 : index
        %swap3A_233 = tpu.vector_load %arg9[%swap3A, %swap3A_232] {strides = array<i32>} : memref<34x128xf32, #tpu.memory_space<vmem>>, vector<16xf32>,
        tpu.vector_store %arg9[%swap3A, %swap3A_232], %get3A_213 {strides = array<i32>} : memref<34x128xf32, #tpu.memory_space<vmem>>, vector<16xf32>,
        %get3A_234 = arith.index_cast %scan3A_231 : i32 to index
        %get3A_235 = arith.constant 0 : index
        %get3A_236 = tpu.vector_load %arg8[%get3A_234, %get3A_235] {strides = array<i32>} : memref<34x64xf32, #tpu.memory_space<vmem>>, vector<16xf32>,
        %swap3A_237 = arith.index_cast %scan3A_231 : i32 to index
        %swap3A_238 = arith.constant 64 : index
        %swap3A_239 = tpu.vector_load %arg9[%swap3A_237, %swap3A_238] {strides = array<i32>} : memref<34x128xf32, #tpu.memory_space<vmem>>, vector<16xf32>,
        tpu.vector_store %arg9[%swap3A_237, %swap3A_238], %get3A_236 {strides = array<i32>} : memref<34x128xf32, #tpu.memory_space<vmem>>, vector<16xf32>,
        %swap3A_240 = arith.index_cast %scan3A_231 : i32 to index
        %swap3A_241 = arith.constant 16 : index
        %swap3A_242 = tpu.vector_load %arg9[%swap3A_240, %swap3A_241] {strides = array<i32>} : memref<34x128xf32, #tpu.memory_space<vmem>>, vector<16xf32>,
        tpu.vector_store %arg9[%swap3A_240, %swap3A_241], %get3A_216 {strides = array<i32>} : memref<34x128xf32, #tpu.memory_space<vmem>>, vector<16xf32>,
        %get3A_243 = arith.index_cast %scan3A_231 : i32 to index
        %get3A_244 = arith.constant 16 : index
        %get3A_245 = tpu.vector_load %arg8[%get3A_243, %get3A_244] {strides = array<i32>} : memref<34x64xf32, #tpu.memory_space<vmem>>, vector<16xf32>,
        %swap3A_246 = arith.index_cast %scan3A_231 : i32 to index
        %swap3A_247 = arith.constant 80 : index
        %swap3A_248 = tpu.vector_load %arg9[%swap3A_246, %swap3A_247] {strides = array<i32>} : memref<34x128xf32, #tpu.memory_space<vmem>>, vector<16xf32>,
        tpu.vector_store %arg9[%swap3A_246, %swap3A_247], %get3A_245 {strides = array<i32>} : memref<34x128xf32, #tpu.memory_space<vmem>>, vector<16xf32>,
        %swap3A_249 = arith.index_cast %scan3A_231 : i32 to index
        %swap3A_250 = arith.constant 32 : index
        %swap3A_251 = tpu.vector_load %arg9[%swap3A_249, %swap3A_250] {strides = array<i32>} : memref<34x128xf32, #tpu.memory_space<vmem>>, vector<16xf32>,
        tpu.vector_store %arg9[%swap3A_249, %swap3A_250], %get3A_219 {strides = array<i32>} : memref<34x128xf32, #tpu.memory_space<vmem>>, vector<16xf32>,
        %get3A_252 = arith.index_cast %scan3A_231 : i32 to index
        %get3A_253 = arith.constant 32 : index
        %get3A_254 = tpu.vector_load %arg8[%get3A_252, %get3A_253] {strides = array<i32>} : memref<34x64xf32, #tpu.memory_space<vmem>>, vector<16xf32>,
        %swap3A_255 = arith.index_cast %scan3A_231 : i32 to index
        %swap3A_256 = arith.constant 96 : index
        %swap3A_257 = tpu.vector_load %arg9[%swap3A_255, %swap3A_256] {strides = array<i32>} : memref<34x128xf32, #tpu.memory_space<vmem>>, vector<16xf32>,
        tpu.vector_store %arg9[%swap3A_255, %swap3A_256], %get3A_254 {strides = array<i32>} : memref<34x128xf32, #tpu.memory_space<vmem>>, vector<16xf32>,
        %swap3A_258 = arith.index_cast %scan3A_231 : i32 to index
        %swap3A_259 = arith.constant 48 : index
        %swap3A_260 = tpu.vector_load %arg9[%swap3A_258, %swap3A_259] {strides = array<i32>} : memref<34x128xf32, #tpu.memory_space<vmem>>, vector<16xf32>,
        tpu.vector_store %arg9[%swap3A_258, %swap3A_259], %get3A_222 {strides = array<i32>} : memref<34x128xf32, #tpu.memory_space<vmem>>, vector<16xf32>,
        %get3A_261 = arith.index_cast %scan3A_231 : i32 to index
        %get3A_262 = arith.constant 48 : index
        %get3A_263 = tpu.vector_load %arg8[%get3A_261, %get3A_262] {strides = array<i32>} : memref<34x64xf32, #tpu.memory_space<vmem>>, vector<16xf32>,
        %swap3A_264 = arith.index_cast %scan3A_231 : i32 to index
        %swap3A_265 = arith.constant 112 : index
        %swap3A_266 = tpu.vector_load %arg9[%swap3A_264, %swap3A_265] {strides = array<i32>} : memref<34x128xf32, #tpu.memory_space<vmem>>, vector<16xf32>,
        tpu.vector_store %arg9[%swap3A_264, %swap3A_265], %get3A_263 {strides = array<i32>} : memref<34x128xf32, #tpu.memory_space<vmem>>, vector<16xf32>,
      }
      %scan3A_228 = arith.constant 34 : i32
      %mul3A_229 = arith.constant 34 : i32
      %mul3A_230 = arith.muli %add3A_210, %mul3A_229 : i32
      "tpu.region"() ({
        %run_scoped3A = tpu.sem_alloc : memref<!tpu.dma_semaphore, #tpu.memory_space<semaphore_mem>>
        %dma_start3A_231 = arith.constant 0 : i32
        %dma_start3A_232 = tpu.memref_slice %arg10[%mul3A_230, %dma_start3A_231] : memref<1156x128xf32, #tpu.memory_space<vmem_shared>> -> memref<34x128xf32, #tpu.memory_space<vmem_shared>>
        %dma_start3A_233 = arith.constant 0 : i32
        %dma_start3A_234 = tpu.memref_slice %arg10[%mul3A_230, %dma_start3A_233] : memref<1156x128xf32, #tpu.memory_space<vmem_shared>> -> memref<34x128xf32, #tpu.memory_space<vmem_shared>>
        tpu.enqueue_dma source(%arg9 : memref<34x128xf32, #tpu.memory_space<vmem>>) target(%dma_start3A_234 : memref<34x128xf32, #tpu.memory_space<vmem_shared>>) target_semaphore(%run_scoped3A : memref<!tpu.dma_semaphore, #tpu.memory_space<semaphore_mem>>)
        %dma_wait3A_235 = arith.constant 0 : i32
        %dma_wait3A_236 = tpu.memref_slice %arg10[%mul3A_230, %dma_wait3A_235] : memref<1156x128xf32, #tpu.memory_space<vmem_shared>> -> memref<34x128xf32, #tpu.memory_space<vmem_shared>>
        %dma_wait3A_237 = arith.constant 0 : i32
        %dma_wait3A_238 = tpu.memref_slice %arg10[%mul3A_230, %dma_wait3A_237] : memref<1156x128xf32, #tpu.memory_space<vmem_shared>> -> memref<34x128xf32, #tpu.memory_space<vmem_shared>>
        tpu.wait_dma2 semaphore(%run_scoped3A : memref<!tpu.dma_semaphore, #tpu.memory_space<semaphore_mem>>) src(%arg9 : memref<34x128xf32, #tpu.memory_space<vmem>>) dst(%dma_wait3A_238 : memref<34x128xf32, #tpu.memory_space<vmem_shared>>)
        tpu.yield
      }) : () -> ()
    } else {
    }
    %iota3A = tpu.iota {dimensions = array<i32: 0>} : vector<16xi32>
    %add3A_45 = arith.constant 0 : i32
    %add3A_46 = arith.addi %mul3A_2, %add3A_45 : i32
    %mul3A_47 = arith.constant 112 : i32
    %mul3A_48 = arith.muli %add3A_46, %mul3A_47 : i32
    "tpu.region"() ({
      %run_scoped3A = tpu.sem_alloc : memref<!tpu.dma_semaphore, #tpu.memory_space<semaphore_mem>>
      %dma_start3A_209 = arith.constant 0 : i32
      %dma_start3A_210 = tpu.memref_slice %arg5[%dma_start3A_209] : memref<28688xi32, #tpu.memory_space<vmem>> -> memref<28672xi32, #tpu.memory_space<vmem>>
      %dma_start3A_211 = tpu.memref_slice %arg2[%mul3A_48] : memref<1835008xi32, #tpu.memory_space<hbm>> -> memref<28672xi32, #tpu.memory_space<hbm>>
      %dma_start3A_212 = arith.constant 0 : i32
      %dma_start3A_213 = tpu.memref_slice %arg5[%dma_start3A_212] : memref<28688xi32, #tpu.memory_space<vmem>> -> memref<28672xi32, #tpu.memory_space<vmem>>
      %dma_start3A_214 = tpu.memref_slice %arg2[%mul3A_48] : memref<1835008xi32, #tpu.memory_space<hbm>> -> memref<28672xi32, #tpu.memory_space<hbm>>
      tpu.enqueue_dma source(%dma_start3A_214 : memref<28672xi32, #tpu.memory_space<hbm>>) target(%dma_start3A_213 : memref<28672xi32, #tpu.memory_space<vmem>>) target_semaphore(%run_scoped3A : memref<!tpu.dma_semaphore, #tpu.memory_space<semaphore_mem>>)
      %dma_wait3A_215 = arith.constant 0 : i32
      %dma_wait3A_216 = tpu.memref_slice %arg5[%dma_wait3A_215] : memref<28688xi32, #tpu.memory_space<vmem>> -> memref<28672xi32, #tpu.memory_space<vmem>>
      %dma_wait3A_217 = tpu.memref_slice %arg2[%mul3A_48] : memref<1835008xi32, #tpu.memory_space<hbm>> -> memref<28672xi32, #tpu.memory_space<hbm>>
      %dma_wait3A_218 = arith.constant 0 : i32
      %dma_wait3A_219 = tpu.memref_slice %arg5[%dma_wait3A_218] : memref<28688xi32, #tpu.memory_space<vmem>> -> memref<28672xi32, #tpu.memory_space<vmem>>
      %dma_wait3A_220 = tpu.memref_slice %arg2[%mul3A_48] : memref<1835008xi32, #tpu.memory_space<hbm>> -> memref<28672xi32, #tpu.memory_space<hbm>>
      tpu.wait_dma2 semaphore(%run_scoped3A : memref<!tpu.dma_semaphore, #tpu.memory_space<semaphore_mem>>) src(%dma_wait3A_220 : memref<28672xi32, #tpu.memory_space<hbm>>) dst(%dma_wait3A_219 : memref<28672xi32, #tpu.memory_space<vmem>>)
      tpu.yield
    }) : () -> ()
    %scan3A_49 = arith.constant 0 : i32
    %scan3A_50 = arith.constant 0 : i32
    %scan3A_51 = arith.constant 256 : i32
    %scan3A_52 = arith.addi %scan3A_50, %scan3A_51 : i32
    %scan3A_53 = arith.constant 1 : i32
    scf.for %scan3A_209 = %scan3A_50 to %scan3A_52 step %scan3A_53  : i32 {
      %mul3A_210 = arith.constant 112 : i32
      %mul3A_211 = arith.muli %scan3A_209, %mul3A_210 : i32
      %add3A_212 = arith.constant 0 : i32
      %add3A_213 = arith.addi %mul3A_211, %add3A_212 : i32
      %mul3A_214 = arith.constant 2 : i32
      %mul3A_215 = vector.broadcast %mul3A_214 : i32 to vector<16xi32>
      %mul3A_216 = arith.muli %mul3A_215, %iota3A : vector<16xi32>
      %add3A_217 = vector.broadcast %add3A_213 : i32 to vector<16xi32>
      %add3A_218 = arith.addi %add3A_217, %mul3A_216 : vector<16xi32>
      %gather3A = tpu.vector_load_idx %arg5[%add3A_218] : memref<28688xi32, #tpu.memory_space<vmem>>[vector<16xi32>], vector<16xi32>,
      %mul3A_219 = arith.constant 2 : i32
      %mul3A_220 = vector.broadcast %mul3A_219 : i32 to vector<16xi32>
      %mul3A_221 = arith.muli %mul3A_220, %iota3A : vector<16xi32>
      %add3A_222 = vector.broadcast %add3A_213 : i32 to vector<16xi32>
      %add3A_223 = arith.addi %add3A_222, %mul3A_221 : vector<16xi32>
      %add3A_224 = arith.constant 1 : i32
      %add3A_225 = vector.broadcast %add3A_224 : i32 to vector<16xi32>
      %add3A_226 = arith.addi %add3A_223, %add3A_225 : vector<16xi32>
      %gather3A_227 = tpu.vector_load_idx %arg5[%add3A_226] : memref<28688xi32, #tpu.memory_space<vmem>>[vector<16xi32>], vector<16xi32>,
      %mul3A_228 = arith.constant 34 : i32
      %mul3A_229 = vector.broadcast %mul3A_228 : i32 to vector<16xi32>
      %mul3A_230 = arith.muli %gather3A, %mul3A_229 : vector<16xi32>
      %add3A_231 = arith.addi %mul3A_230, %gather3A_227 : vector<16xi32>
      %add3A_232 = arith.constant 0 : i32
      %add3A_233 = arith.addi %add3A_232, %scan3A_209 : i32
      %swap3A = arith.index_cast %add3A_233 : i32 to index
      %swap3A_234 = arith.constant 0 : index
      %swap3A_235 = tpu.vector_load %arg6[%swap3A, %swap3A_234] {strides = array<i32>} : memref<512x64xi32, #tpu.memory_space<vmem>>, vector<16xi32>,
      tpu.vector_store %arg6[%swap3A, %swap3A_234], %add3A_231 {strides = array<i32>} : memref<512x64xi32, #tpu.memory_space<vmem>>, vector<16xi32>,
      %mul3A_236 = arith.constant 112 : i32
      %mul3A_237 = arith.muli %scan3A_209, %mul3A_236 : i32
      %add3A_238 = arith.constant 32 : i32
      %add3A_239 = arith.addi %mul3A_237, %add3A_238 : i32
      %mul3A_240 = arith.constant 2 : i32
      %mul3A_241 = vector.broadcast %mul3A_240 : i32 to vector<16xi32>
      %mul3A_242 = arith.muli %mul3A_241, %iota3A : vector<16xi32>
      %add3A_243 = vector.broadcast %add3A_239 : i32 to vector<16xi32>
      %add3A_244 = arith.addi %add3A_243, %mul3A_242 : vector<16xi32>
      %gather3A_245 = tpu.vector_load_idx %arg5[%add3A_244] : memref<28688xi32, #tpu.memory_space<vmem>>[vector<16xi32>], vector<16xi32>,
      %mul3A_246 = arith.constant 2 : i32
      %mul3A_247 = vector.broadcast %mul3A_246 : i32 to vector<16xi32>
      %mul3A_248 = arith.muli %mul3A_247, %iota3A : vector<16xi32>
      %add3A_249 = vector.broadcast %add3A_239 : i32 to vector<16xi32>
      %add3A_250 = arith.addi %add3A_249, %mul3A_248 : vector<16xi32>
      %add3A_251 = arith.constant 1 : i32
      %add3A_252 = vector.broadcast %add3A_251 : i32 to vector<16xi32>
      %add3A_253 = arith.addi %add3A_250, %add3A_252 : vector<16xi32>
      %gather3A_254 = tpu.vector_load_idx %arg5[%add3A_253] : memref<28688xi32, #tpu.memory_space<vmem>>[vector<16xi32>], vector<16xi32>,
      %mul3A_255 = arith.constant 34 : i32
      %mul3A_256 = vector.broadcast %mul3A_255 : i32 to vector<16xi32>
      %mul3A_257 = arith.muli %gather3A_245, %mul3A_256 : vector<16xi32>
      %add3A_258 = arith.addi %mul3A_257, %gather3A_254 : vector<16xi32>
      %add3A_259 = arith.constant 0 : i32
      %add3A_260 = arith.addi %add3A_259, %scan3A_209 : i32
      %swap3A_261 = arith.index_cast %add3A_260 : i32 to index
      %swap3A_262 = arith.constant 16 : index
      %swap3A_263 = tpu.vector_load %arg6[%swap3A_261, %swap3A_262] {strides = array<i32>} : memref<512x64xi32, #tpu.memory_space<vmem>>, vector<16xi32>,
      tpu.vector_store %arg6[%swap3A_261, %swap3A_262], %add3A_258 {strides = array<i32>} : memref<512x64xi32, #tpu.memory_space<vmem>>, vector<16xi32>,
      %mul3A_264 = arith.constant 112 : i32
      %mul3A_265 = arith.muli %scan3A_209, %mul3A_264 : i32
      %add3A_266 = arith.constant 64 : i32
      %add3A_267 = arith.addi %mul3A_265, %add3A_266 : i32
      %mul3A_268 = arith.constant 2 : i32
      %mul3A_269 = vector.broadcast %mul3A_268 : i32 to vector<16xi32>
      %mul3A_270 = arith.muli %mul3A_269, %iota3A : vector<16xi32>
      %add3A_271 = vector.broadcast %add3A_267 : i32 to vector<16xi32>
      %add3A_272 = arith.addi %add3A_271, %mul3A_270 : vector<16xi32>
      %gather3A_273 = tpu.vector_load_idx %arg5[%add3A_272] : memref<28688xi32, #tpu.memory_space<vmem>>[vector<16xi32>], vector<16xi32>,
      %mul3A_274 = arith.constant 2 : i32
      %mul3A_275 = vector.broadcast %mul3A_274 : i32 to vector<16xi32>
      %mul3A_276 = arith.muli %mul3A_275, %iota3A : vector<16xi32>
      %add3A_277 = vector.broadcast %add3A_267 : i32 to vector<16xi32>
      %add3A_278 = arith.addi %add3A_277, %mul3A_276 : vector<16xi32>
      %add3A_279 = arith.constant 1 : i32
      %add3A_280 = vector.broadcast %add3A_279 : i32 to vector<16xi32>
      %add3A_281 = arith.addi %add3A_278, %add3A_280 : vector<16xi32>
      %gather3A_282 = tpu.vector_load_idx %arg5[%add3A_281] : memref<28688xi32, #tpu.memory_space<vmem>>[vector<16xi32>], vector<16xi32>,
      %mul3A_283 = arith.constant 34 : i32
      %mul3A_284 = vector.broadcast %mul3A_283 : i32 to vector<16xi32>
      %mul3A_285 = arith.muli %gather3A_273, %mul3A_284 : vector<16xi32>
      %add3A_286 = arith.addi %mul3A_285, %gather3A_282 : vector<16xi32>
      %add3A_287 = arith.constant 0 : i32
      %add3A_288 = arith.addi %add3A_287, %scan3A_209 : i32
      %swap3A_289 = arith.index_cast %add3A_288 : i32 to index
      %swap3A_290 = arith.constant 32 : index
      %swap3A_291 = tpu.vector_load %arg6[%swap3A_289, %swap3A_290] {strides = array<i32>} : memref<512x64xi32, #tpu.memory_space<vmem>>, vector<16xi32>,
      tpu.vector_store %arg6[%swap3A_289, %swap3A_290], %add3A_286 {strides = array<i32>} : memref<512x64xi32, #tpu.memory_space<vmem>>, vector<16xi32>,
      %mul3A_292 = arith.constant 112 : i32
      %mul3A_293 = arith.muli %scan3A_209, %mul3A_292 : i32
      %add3A_294 = arith.constant 96 : i32
      %add3A_295 = arith.addi %mul3A_293, %add3A_294 : i32
      %mul3A_296 = arith.constant 2 : i32
      %mul3A_297 = vector.broadcast %mul3A_296 : i32 to vector<16xi32>
      %mul3A_298 = arith.muli %mul3A_297, %iota3A : vector<16xi32>
      %add3A_299 = vector.broadcast %add3A_295 : i32 to vector<16xi32>
      %add3A_300 = arith.addi %add3A_299, %mul3A_298 : vector<16xi32>
      %gather3A_301 = tpu.vector_load_idx %arg5[%add3A_300] : memref<28688xi32, #tpu.memory_space<vmem>>[vector<16xi32>], vector<16xi32>,
      %mul3A_302 = arith.constant 2 : i32
      %mul3A_303 = vector.broadcast %mul3A_302 : i32 to vector<16xi32>
      %mul3A_304 = arith.muli %mul3A_303, %iota3A : vector<16xi32>
      %add3A_305 = vector.broadcast %add3A_295 : i32 to vector<16xi32>
      %add3A_306 = arith.addi %add3A_305, %mul3A_304 : vector<16xi32>
      %add3A_307 = arith.constant 1 : i32
      %add3A_308 = vector.broadcast %add3A_307 : i32 to vector<16xi32>
      %add3A_309 = arith.addi %add3A_306, %add3A_308 : vector<16xi32>
      %gather3A_310 = tpu.vector_load_idx %arg5[%add3A_309] : memref<28688xi32, #tpu.memory_space<vmem>>[vector<16xi32>], vector<16xi32>,
      %mul3A_311 = arith.constant 34 : i32
      %mul3A_312 = vector.broadcast %mul3A_311 : i32 to vector<16xi32>
      %mul3A_313 = arith.muli %gather3A_301, %mul3A_312 : vector<16xi32>
      %add3A_314 = arith.addi %mul3A_313, %gather3A_310 : vector<16xi32>
      %add3A_315 = arith.constant 0 : i32
      %add3A_316 = arith.addi %add3A_315, %scan3A_209 : i32
      %swap3A_317 = arith.index_cast %add3A_316 : i32 to index
      %swap3A_318 = arith.constant 48 : index
      %swap3A_319 = tpu.vector_load %arg6[%swap3A_317, %swap3A_318] {strides = array<i32>} : memref<512x64xi32, #tpu.memory_space<vmem>>, vector<16xi32>,
      tpu.vector_store %arg6[%swap3A_317, %swap3A_318], %add3A_314 {strides = array<i32>} : memref<512x64xi32, #tpu.memory_space<vmem>>, vector<16xi32>,
    }
    %scan3A_54 = arith.constant 256 : i32
    %add3A_55 = arith.constant 256 : i32
    %add3A_56 = arith.addi %mul3A_2, %add3A_55 : i32
    %mul3A_57 = arith.constant 112 : i32
    %mul3A_58 = arith.muli %add3A_56, %mul3A_57 : i32
    "tpu.region"() ({
      %run_scoped3A = tpu.sem_alloc : memref<!tpu.dma_semaphore, #tpu.memory_space<semaphore_mem>>
      %dma_start3A_209 = arith.constant 0 : i32
      %dma_start3A_210 = tpu.memref_slice %arg5[%dma_start3A_209] : memref<28688xi32, #tpu.memory_space<vmem>> -> memref<28672xi32, #tpu.memory_space<vmem>>
      %dma_start3A_211 = tpu.memref_slice %arg2[%mul3A_58] : memref<1835008xi32, #tpu.memory_space<hbm>> -> memref<28672xi32, #tpu.memory_space<hbm>>
      %dma_start3A_212 = arith.constant 0 : i32
      %dma_start3A_213 = tpu.memref_slice %arg5[%dma_start3A_212] : memref<28688xi32, #tpu.memory_space<vmem>> -> memref<28672xi32, #tpu.memory_space<vmem>>
      %dma_start3A_214 = tpu.memref_slice %arg2[%mul3A_58] : memref<1835008xi32, #tpu.memory_space<hbm>> -> memref<28672xi32, #tpu.memory_space<hbm>>
      tpu.enqueue_dma source(%dma_start3A_214 : memref<28672xi32, #tpu.memory_space<hbm>>) target(%dma_start3A_213 : memref<28672xi32, #tpu.memory_space<vmem>>) target_semaphore(%run_scoped3A : memref<!tpu.dma_semaphore, #tpu.memory_space<semaphore_mem>>)
      %dma_wait3A_215 = arith.constant 0 : i32
      %dma_wait3A_216 = tpu.memref_slice %arg5[%dma_wait3A_215] : memref<28688xi32, #tpu.memory_space<vmem>> -> memref<28672xi32, #tpu.memory_space<vmem>>
      %dma_wait3A_217 = tpu.memref_slice %arg2[%mul3A_58] : memref<1835008xi32, #tpu.memory_space<hbm>> -> memref<28672xi32, #tpu.memory_space<hbm>>
      %dma_wait3A_218 = arith.constant 0 : i32
      %dma_wait3A_219 = tpu.memref_slice %arg5[%dma_wait3A_218] : memref<28688xi32, #tpu.memory_space<vmem>> -> memref<28672xi32, #tpu.memory_space<vmem>>
      %dma_wait3A_220 = tpu.memref_slice %arg2[%mul3A_58] : memref<1835008xi32, #tpu.memory_space<hbm>> -> memref<28672xi32, #tpu.memory_space<hbm>>
      tpu.wait_dma2 semaphore(%run_scoped3A : memref<!tpu.dma_semaphore, #tpu.memory_space<semaphore_mem>>) src(%dma_wait3A_220 : memref<28672xi32, #tpu.memory_space<hbm>>) dst(%dma_wait3A_219 : memref<28672xi32, #tpu.memory_space<vmem>>)
      tpu.yield
    }) : () -> ()
    %scan3A_59 = arith.constant 0 : i32
    %scan3A_60 = arith.constant 0 : i32
    %scan3A_61 = arith.constant 256 : i32
    %scan3A_62 = arith.addi %scan3A_60, %scan3A_61 : i32
    %scan3A_63 = arith.constant 1 : i32
    scf.for %scan3A_209 = %scan3A_60 to %scan3A_62 step %scan3A_63  : i32 {
      %mul3A_210 = arith.constant 112 : i32
      %mul3A_211 = arith.muli %scan3A_209, %mul3A_210 : i32
      %add3A_212 = arith.constant 0 : i32
      %add3A_213 = arith.addi %mul3A_211, %add3A_212 : i32
      %mul3A_214 = arith.constant 2 : i32
      %mul3A_215 = vector.broadcast %mul3A_214 : i32 to vector<16xi32>
      %mul3A_216 = arith.muli %mul3A_215, %iota3A : vector<16xi32>
      %add3A_217 = vector.broadcast %add3A_213 : i32 to vector<16xi32>
      %add3A_218 = arith.addi %add3A_217, %mul3A_216 : vector<16xi32>
      %gather3A = tpu.vector_load_idx %arg5[%add3A_218] : memref<28688xi32, #tpu.memory_space<vmem>>[vector<16xi32>], vector<16xi32>,
      %mul3A_219 = arith.constant 2 : i32
      %mul3A_220 = vector.broadcast %mul3A_219 : i32 to vector<16xi32>
      %mul3A_221 = arith.muli %mul3A_220, %iota3A : vector<16xi32>
      %add3A_222 = vector.broadcast %add3A_213 : i32 to vector<16xi32>
      %add3A_223 = arith.addi %add3A_222, %mul3A_221 : vector<16xi32>
      %add3A_224 = arith.constant 1 : i32
      %add3A_225 = vector.broadcast %add3A_224 : i32 to vector<16xi32>
      %add3A_226 = arith.addi %add3A_223, %add3A_225 : vector<16xi32>
      %gather3A_227 = tpu.vector_load_idx %arg5[%add3A_226] : memref<28688xi32, #tpu.memory_space<vmem>>[vector<16xi32>], vector<16xi32>,
      %mul3A_228 = arith.constant 34 : i32
      %mul3A_229 = vector.broadcast %mul3A_228 : i32 to vector<16xi32>
      %mul3A_230 = arith.muli %gather3A, %mul3A_229 : vector<16xi32>
      %add3A_231 = arith.addi %mul3A_230, %gather3A_227 : vector<16xi32>
      %add3A_232 = arith.constant 256 : i32
      %add3A_233 = arith.addi %add3A_232, %scan3A_209 : i32
      %swap3A = arith.index_cast %add3A_233 : i32 to index
      %swap3A_234 = arith.constant 0 : index
      %swap3A_235 = tpu.vector_load %arg6[%swap3A, %swap3A_234] {strides = array<i32>} : memref<512x64xi32, #tpu.memory_space<vmem>>, vector<16xi32>,
      tpu.vector_store %arg6[%swap3A, %swap3A_234], %add3A_231 {strides = array<i32>} : memref<512x64xi32, #tpu.memory_space<vmem>>, vector<16xi32>,
      %mul3A_236 = arith.constant 112 : i32
      %mul3A_237 = arith.muli %scan3A_209, %mul3A_236 : i32
      %add3A_238 = arith.constant 32 : i32
      %add3A_239 = arith.addi %mul3A_237, %add3A_238 : i32
      %mul3A_240 = arith.constant 2 : i32
      %mul3A_241 = vector.broadcast %mul3A_240 : i32 to vector<16xi32>
      %mul3A_242 = arith.muli %mul3A_241, %iota3A : vector<16xi32>
      %add3A_243 = vector.broadcast %add3A_239 : i32 to vector<16xi32>
      %add3A_244 = arith.addi %add3A_243, %mul3A_242 : vector<16xi32>
      %gather3A_245 = tpu.vector_load_idx %arg5[%add3A_244] : memref<28688xi32, #tpu.memory_space<vmem>>[vector<16xi32>], vector<16xi32>,
      %mul3A_246 = arith.constant 2 : i32
      %mul3A_247 = vector.broadcast %mul3A_246 : i32 to vector<16xi32>
      %mul3A_248 = arith.muli %mul3A_247, %iota3A : vector<16xi32>
      %add3A_249 = vector.broadcast %add3A_239 : i32 to vector<16xi32>
      %add3A_250 = arith.addi %add3A_249, %mul3A_248 : vector<16xi32>
      %add3A_251 = arith.constant 1 : i32
      %add3A_252 = vector.broadcast %add3A_251 : i32 to vector<16xi32>
      %add3A_253 = arith.addi %add3A_250, %add3A_252 : vector<16xi32>
      %gather3A_254 = tpu.vector_load_idx %arg5[%add3A_253] : memref<28688xi32, #tpu.memory_space<vmem>>[vector<16xi32>], vector<16xi32>,
      %mul3A_255 = arith.constant 34 : i32
      %mul3A_256 = vector.broadcast %mul3A_255 : i32 to vector<16xi32>
      %mul3A_257 = arith.muli %gather3A_245, %mul3A_256 : vector<16xi32>
      %add3A_258 = arith.addi %mul3A_257, %gather3A_254 : vector<16xi32>
      %add3A_259 = arith.constant 256 : i32
      %add3A_260 = arith.addi %add3A_259, %scan3A_209 : i32
      %swap3A_261 = arith.index_cast %add3A_260 : i32 to index
      %swap3A_262 = arith.constant 16 : index
      %swap3A_263 = tpu.vector_load %arg6[%swap3A_261, %swap3A_262] {strides = array<i32>} : memref<512x64xi32, #tpu.memory_space<vmem>>, vector<16xi32>,
      tpu.vector_store %arg6[%swap3A_261, %swap3A_262], %add3A_258 {strides = array<i32>} : memref<512x64xi32, #tpu.memory_space<vmem>>, vector<16xi32>,
      %mul3A_264 = arith.constant 112 : i32
      %mul3A_265 = arith.muli %scan3A_209, %mul3A_264 : i32
      %add3A_266 = arith.constant 64 : i32
      %add3A_267 = arith.addi %mul3A_265, %add3A_266 : i32
      %mul3A_268 = arith.constant 2 : i32
      %mul3A_269 = vector.broadcast %mul3A_268 : i32 to vector<16xi32>
      %mul3A_270 = arith.muli %mul3A_269, %iota3A : vector<16xi32>
      %add3A_271 = vector.broadcast %add3A_267 : i32 to vector<16xi32>
      %add3A_272 = arith.addi %add3A_271, %mul3A_270 : vector<16xi32>
      %gather3A_273 = tpu.vector_load_idx %arg5[%add3A_272] : memref<28688xi32, #tpu.memory_space<vmem>>[vector<16xi32>], vector<16xi32>,
      %mul3A_274 = arith.constant 2 : i32
      %mul3A_275 = vector.broadcast %mul3A_274 : i32 to vector<16xi32>
      %mul3A_276 = arith.muli %mul3A_275, %iota3A : vector<16xi32>
      %add3A_277 = vector.broadcast %add3A_267 : i32 to vector<16xi32>
      %add3A_278 = arith.addi %add3A_277, %mul3A_276 : vector<16xi32>
      %add3A_279 = arith.constant 1 : i32
      %add3A_280 = vector.broadcast %add3A_279 : i32 to vector<16xi32>
      %add3A_281 = arith.addi %add3A_278, %add3A_280 : vector<16xi32>
      %gather3A_282 = tpu.vector_load_idx %arg5[%add3A_281] : memref<28688xi32, #tpu.memory_space<vmem>>[vector<16xi32>], vector<16xi32>,
      %mul3A_283 = arith.constant 34 : i32
      %mul3A_284 = vector.broadcast %mul3A_283 : i32 to vector<16xi32>
      %mul3A_285 = arith.muli %gather3A_273, %mul3A_284 : vector<16xi32>
      %add3A_286 = arith.addi %mul3A_285, %gather3A_282 : vector<16xi32>
      %add3A_287 = arith.constant 256 : i32
      %add3A_288 = arith.addi %add3A_287, %scan3A_209 : i32
      %swap3A_289 = arith.index_cast %add3A_288 : i32 to index
      %swap3A_290 = arith.constant 32 : index
      %swap3A_291 = tpu.vector_load %arg6[%swap3A_289, %swap3A_290] {strides = array<i32>} : memref<512x64xi32, #tpu.memory_space<vmem>>, vector<16xi32>,
      tpu.vector_store %arg6[%swap3A_289, %swap3A_290], %add3A_286 {strides = array<i32>} : memref<512x64xi32, #tpu.memory_space<vmem>>, vector<16xi32>,
      %mul3A_292 = arith.constant 112 : i32
      %mul3A_293 = arith.muli %scan3A_209, %mul3A_292 : i32
      %add3A_294 = arith.constant 96 : i32
      %add3A_295 = arith.addi %mul3A_293, %add3A_294 : i32
      %mul3A_296 = arith.constant 2 : i32
      %mul3A_297 = vector.broadcast %mul3A_296 : i32 to vector<16xi32>
      %mul3A_298 = arith.muli %mul3A_297, %iota3A : vector<16xi32>
      %add3A_299 = vector.broadcast %add3A_295 : i32 to vector<16xi32>
      %add3A_300 = arith.addi %add3A_299, %mul3A_298 : vector<16xi32>
      %gather3A_301 = tpu.vector_load_idx %arg5[%add3A_300] : memref<28688xi32, #tpu.memory_space<vmem>>[vector<16xi32>], vector<16xi32>,
      %mul3A_302 = arith.constant 2 : i32
      %mul3A_303 = vector.broadcast %mul3A_302 : i32 to vector<16xi32>
      %mul3A_304 = arith.muli %mul3A_303, %iota3A : vector<16xi32>
      %add3A_305 = vector.broadcast %add3A_295 : i32 to vector<16xi32>
      %add3A_306 = arith.addi %add3A_305, %mul3A_304 : vector<16xi32>
      %add3A_307 = arith.constant 1 : i32
      %add3A_308 = vector.broadcast %add3A_307 : i32 to vector<16xi32>
      %add3A_309 = arith.addi %add3A_306, %add3A_308 : vector<16xi32>
      %gather3A_310 = tpu.vector_load_idx %arg5[%add3A_309] : memref<28688xi32, #tpu.memory_space<vmem>>[vector<16xi32>], vector<16xi32>,
      %mul3A_311 = arith.constant 34 : i32
      %mul3A_312 = vector.broadcast %mul3A_311 : i32 to vector<16xi32>
      %mul3A_313 = arith.muli %gather3A_301, %mul3A_312 : vector<16xi32>
      %add3A_314 = arith.addi %mul3A_313, %gather3A_310 : vector<16xi32>
      %add3A_315 = arith.constant 256 : i32
      %add3A_316 = arith.addi %add3A_315, %scan3A_209 : i32
      %swap3A_317 = arith.index_cast %add3A_316 : i32 to index
      %swap3A_318 = arith.constant 48 : index
      %swap3A_319 = tpu.vector_load %arg6[%swap3A_317, %swap3A_318] {strides = array<i32>} : memref<512x64xi32, #tpu.memory_space<vmem>>, vector<16xi32>,
      tpu.vector_store %arg6[%swap3A_317, %swap3A_318], %add3A_314 {strides = array<i32>} : memref<512x64xi32, #tpu.memory_space<vmem>>, vector<16xi32>,
    }
    %scan3A_64 = arith.constant 256 : i32
    %barrier3A = arith.constant 0 : index
    tpu.barrier barrier_id(%barrier3A)
    %dma_start3A = arith.constant 0 : i32
    %dma_start3A_65 = arith.constant 0 : i32
    %dma_start3A_66 = arith.constant 0 : i32
    %dma_start3A_67 = arith.constant 0 : i32
    %dma_start3A_68 = arith.constant 0 : i32
    %dma_start3A_69 = tpu.memref_slice %arg7[%dma_start3A_65, %dma_start3A_67, %dma_start3A_68] : memref<4x56x128xf32, #tpu.memory_space<vmem>> -> memref<1x56x128xf32, #tpu.memory_space<vmem>>
    %dma_start3A_70 = tpu.memref_squeeze %dma_start3A_69 : memref<1x56x128xf32, #tpu.memory_space<vmem>> -> memref<56x128xf32, #tpu.memory_space<vmem>>
    %dma_start3A_71 = arith.constant 0 : i32
    %dma_start3A_72 = tpu.memref_slice %arg6[%dma_start3A, %dma_start3A_71] : memref<512x64xi32, #tpu.memory_space<vmem>> -> memref<1x56xi32, #tpu.memory_space<vmem>>
    %dma_start3A_73 = tpu.memref_squeeze %dma_start3A_72 : memref<1x56xi32, #tpu.memory_space<vmem>> -> memref<56xi32, #tpu.memory_space<vmem>>
    %dma_start3A_74 = arith.constant 0 : i32
    %dma_start3A_75 = arith.constant 0 : i32
    %dma_start3A_76 = tpu.memref_slice %arg10[%dma_start3A_74, %dma_start3A_75] : memref<1156x128xf32, #tpu.memory_space<vmem_shared>> -> memref<1156x128xf32, #tpu.memory_space<vmem_shared>>
    %dma_start3A_77 = tpu.memref_slice %arg11[%dma_start3A_66] : memref<4x!tpu.dma_semaphore, #tpu.memory_space<semaphore_mem>> -> memref<1x!tpu.dma_semaphore, #tpu.memory_space<semaphore_mem>>
    %dma_start3A_78 = tpu.memref_squeeze %dma_start3A_77 : memref<1x!tpu.dma_semaphore, #tpu.memory_space<semaphore_mem>> -> memref<!tpu.dma_semaphore, #tpu.memory_space<semaphore_mem>>
    tpu.enqueue_indirect_dma source(%dma_start3A_76 : memref<1156x128xf32, #tpu.memory_space<vmem_shared>>) target(%dma_start3A_70 : memref<56x128xf32, #tpu.memory_space<vmem>>) offsets(%dma_start3A_73 : memref<56xi32, #tpu.memory_space<vmem>>) semaphore(%dma_start3A_78 : memref<!tpu.dma_semaphore, #tpu.memory_space<semaphore_mem>>)
    %dma_start3A_79 = arith.constant 1 : i32
    %dma_start3A_80 = arith.constant 1 : i32
    %dma_start3A_81 = arith.constant 1 : i32
    %dma_start3A_82 = arith.constant 0 : i32
    %dma_start3A_83 = arith.constant 0 : i32
    %dma_start3A_84 = tpu.memref_slice %arg7[%dma_start3A_80, %dma_start3A_82, %dma_start3A_83] : memref<4x56x128xf32, #tpu.memory_space<vmem>> -> memref<1x56x128xf32, #tpu.memory_space<vmem>>
    %dma_start3A_85 = tpu.memref_squeeze %dma_start3A_84 : memref<1x56x128xf32, #tpu.memory_space<vmem>> -> memref<56x128xf32, #tpu.memory_space<vmem>>
    %dma_start3A_86 = arith.constant 0 : i32
    %dma_start3A_87 = tpu.memref_slice %arg6[%dma_start3A_79, %dma_start3A_86] : memref<512x64xi32, #tpu.memory_space<vmem>> -> memref<1x56xi32, #tpu.memory_space<vmem>>
    %dma_start3A_88 = tpu.memref_squeeze %dma_start3A_87 : memref<1x56xi32, #tpu.memory_space<vmem>> -> memref<56xi32, #tpu.memory_space<vmem>>
    %dma_start3A_89 = arith.constant 0 : i32
    %dma_start3A_90 = arith.constant 0 : i32
    %dma_start3A_91 = tpu.memref_slice %arg10[%dma_start3A_89, %dma_start3A_90] : memref<1156x128xf32, #tpu.memory_space<vmem_shared>> -> memref<1156x128xf32, #tpu.memory_space<vmem_shared>>
    %dma_start3A_92 = tpu.memref_slice %arg11[%dma_start3A_81] : memref<4x!tpu.dma_semaphore, #tpu.memory_space<semaphore_mem>> -> memref<1x!tpu.dma_semaphore, #tpu.memory_space<semaphore_mem>>
    %dma_start3A_93 = tpu.memref_squeeze %dma_start3A_92 : memref<1x!tpu.dma_semaphore, #tpu.memory_space<semaphore_mem>> -> memref<!tpu.dma_semaphore, #tpu.memory_space<semaphore_mem>>
    tpu.enqueue_indirect_dma source(%dma_start3A_91 : memref<1156x128xf32, #tpu.memory_space<vmem_shared>>) target(%dma_start3A_85 : memref<56x128xf32, #tpu.memory_space<vmem>>) offsets(%dma_start3A_88 : memref<56xi32, #tpu.memory_space<vmem>>) semaphore(%dma_start3A_93 : memref<!tpu.dma_semaphore, #tpu.memory_space<semaphore_mem>>)
    %dma_start3A_94 = arith.constant 2 : i32
    %dma_start3A_95 = arith.constant 2 : i32
    %dma_start3A_96 = arith.constant 2 : i32
    %dma_start3A_97 = arith.constant 0 : i32
    %dma_start3A_98 = arith.constant 0 : i32
    %dma_start3A_99 = tpu.memref_slice %arg7[%dma_start3A_95, %dma_start3A_97, %dma_start3A_98] : memref<4x56x128xf32, #tpu.memory_space<vmem>> -> memref<1x56x128xf32, #tpu.memory_space<vmem>>
    %dma_start3A_100 = tpu.memref_squeeze %dma_start3A_99 : memref<1x56x128xf32, #tpu.memory_space<vmem>> -> memref<56x128xf32, #tpu.memory_space<vmem>>
    %dma_start3A_101 = arith.constant 0 : i32
    %dma_start3A_102 = tpu.memref_slice %arg6[%dma_start3A_94, %dma_start3A_101] : memref<512x64xi32, #tpu.memory_space<vmem>> -> memref<1x56xi32, #tpu.memory_space<vmem>>
    %dma_start3A_103 = tpu.memref_squeeze %dma_start3A_102 : memref<1x56xi32, #tpu.memory_space<vmem>> -> memref<56xi32, #tpu.memory_space<vmem>>
    %dma_start3A_104 = arith.constant 0 : i32
    %dma_start3A_105 = arith.constant 0 : i32
    %dma_start3A_106 = tpu.memref_slice %arg10[%dma_start3A_104, %dma_start3A_105] : memref<1156x128xf32, #tpu.memory_space<vmem_shared>> -> memref<1156x128xf32, #tpu.memory_space<vmem_shared>>
    %dma_start3A_107 = tpu.memref_slice %arg11[%dma_start3A_96] : memref<4x!tpu.dma_semaphore, #tpu.memory_space<semaphore_mem>> -> memref<1x!tpu.dma_semaphore, #tpu.memory_space<semaphore_mem>>
    %dma_start3A_108 = tpu.memref_squeeze %dma_start3A_107 : memref<1x!tpu.dma_semaphore, #tpu.memory_space<semaphore_mem>> -> memref<!tpu.dma_semaphore, #tpu.memory_space<semaphore_mem>>
    tpu.enqueue_indirect_dma source(%dma_start3A_106 : memref<1156x128xf32, #tpu.memory_space<vmem_shared>>) target(%dma_start3A_100 : memref<56x128xf32, #tpu.memory_space<vmem>>) offsets(%dma_start3A_103 : memref<56xi32, #tpu.memory_space<vmem>>) semaphore(%dma_start3A_108 : memref<!tpu.dma_semaphore, #tpu.memory_space<semaphore_mem>>)
    %dma_start3A_109 = arith.constant 3 : i32
    %dma_start3A_110 = arith.constant 3 : i32
    %dma_start3A_111 = arith.constant 3 : i32
    %dma_start3A_112 = arith.constant 0 : i32
    %dma_start3A_113 = arith.constant 0 : i32
    %dma_start3A_114 = tpu.memref_slice %arg7[%dma_start3A_110, %dma_start3A_112, %dma_start3A_113] : memref<4x56x128xf32, #tpu.memory_space<vmem>> -> memref<1x56x128xf32, #tpu.memory_space<vmem>>
    %dma_start3A_115 = tpu.memref_squeeze %dma_start3A_114 : memref<1x56x128xf32, #tpu.memory_space<vmem>> -> memref<56x128xf32, #tpu.memory_space<vmem>>
    %dma_start3A_116 = arith.constant 0 : i32
    %dma_start3A_117 = tpu.memref_slice %arg6[%dma_start3A_109, %dma_start3A_116] : memref<512x64xi32, #tpu.memory_space<vmem>> -> memref<1x56xi32, #tpu.memory_space<vmem>>
    %dma_start3A_118 = tpu.memref_squeeze %dma_start3A_117 : memref<1x56xi32, #tpu.memory_space<vmem>> -> memref<56xi32, #tpu.memory_space<vmem>>
    %dma_start3A_119 = arith.constant 0 : i32
    %dma_start3A_120 = arith.constant 0 : i32
    %dma_start3A_121 = tpu.memref_slice %arg10[%dma_start3A_119, %dma_start3A_120] : memref<1156x128xf32, #tpu.memory_space<vmem_shared>> -> memref<1156x128xf32, #tpu.memory_space<vmem_shared>>
    %dma_start3A_122 = tpu.memref_slice %arg11[%dma_start3A_111] : memref<4x!tpu.dma_semaphore, #tpu.memory_space<semaphore_mem>> -> memref<1x!tpu.dma_semaphore, #tpu.memory_space<semaphore_mem>>
    %dma_start3A_123 = tpu.memref_squeeze %dma_start3A_122 : memref<1x!tpu.dma_semaphore, #tpu.memory_space<semaphore_mem>> -> memref<!tpu.dma_semaphore, #tpu.memory_space<semaphore_mem>>
    tpu.enqueue_indirect_dma source(%dma_start3A_121 : memref<1156x128xf32, #tpu.memory_space<vmem_shared>>) target(%dma_start3A_115 : memref<56x128xf32, #tpu.memory_space<vmem>>) offsets(%dma_start3A_118 : memref<56xi32, #tpu.memory_space<vmem>>) semaphore(%dma_start3A_123 : memref<!tpu.dma_semaphore, #tpu.memory_space<semaphore_mem>>)
    %scan3A_124 = arith.constant 0 : i32
    %scan3A_125 = arith.constant 0 : i32
    %scan3A_126 = arith.constant 128 : i32
    %scan3A_127 = arith.addi %scan3A_125, %scan3A_126 : i32
    %scan3A_128 = arith.constant 1 : i32
    scf.for %scan3A_209 = %scan3A_125 to %scan3A_127 step %scan3A_128  : i32 {
      %mul3A_210 = arith.constant 4 : i32
      %mul3A_211 = arith.muli %scan3A_209, %mul3A_210 : i32
      %add3A_212 = arith.constant 0 : i32
      %add3A_213 = arith.addi %mul3A_211, %add3A_212 : i32
      %dma_wait3A_214 = arith.constant 0 : i32
      %dma_wait3A_215 = arith.constant 0 : i32
      %dma_wait3A_216 = arith.constant 0 : i32
      %dma_wait3A_217 = arith.constant 0 : i32
      %dma_wait3A_218 = tpu.memref_slice %arg7[%dma_wait3A_214, %dma_wait3A_216, %dma_wait3A_217] : memref<4x56x128xf32, #tpu.memory_space<vmem>> -> memref<1x56x128xf32, #tpu.memory_space<vmem>>
      %dma_wait3A_219 = tpu.memref_squeeze %dma_wait3A_218 : memref<1x56x128xf32, #tpu.memory_space<vmem>> -> memref<56x128xf32, #tpu.memory_space<vmem>>
      %dma_wait3A_220 = arith.constant 0 : i32
      %dma_wait3A_221 = tpu.memref_slice %arg6[%add3A_213, %dma_wait3A_220] : memref<512x64xi32, #tpu.memory_space<vmem>> -> memref<1x56xi32, #tpu.memory_space<vmem>>
      %dma_wait3A_222 = tpu.memref_squeeze %dma_wait3A_221 : memref<1x56xi32, #tpu.memory_space<vmem>> -> memref<56xi32, #tpu.memory_space<vmem>>
      %dma_wait3A_223 = arith.constant 0 : i32
      %dma_wait3A_224 = arith.constant 0 : i32
      %dma_wait3A_225 = tpu.memref_slice %arg10[%dma_wait3A_223, %dma_wait3A_224] : memref<1156x128xf32, #tpu.memory_space<vmem_shared>> -> memref<1156x128xf32, #tpu.memory_space<vmem_shared>>
      %dma_wait3A_226 = tpu.memref_slice %arg11[%dma_wait3A_215] : memref<4x!tpu.dma_semaphore, #tpu.memory_space<semaphore_mem>> -> memref<1x!tpu.dma_semaphore, #tpu.memory_space<semaphore_mem>>
      %dma_wait3A_227 = tpu.memref_squeeze %dma_wait3A_226 : memref<1x!tpu.dma_semaphore, #tpu.memory_space<semaphore_mem>> -> memref<!tpu.dma_semaphore, #tpu.memory_space<semaphore_mem>>
      tpu.wait_indirect_dma semaphore(%dma_wait3A_227 : memref<!tpu.dma_semaphore, #tpu.memory_space<semaphore_mem>>) src(%dma_wait3A_225 : memref<1156x128xf32, #tpu.memory_space<vmem_shared>>) dst(%dma_wait3A_219 : memref<56x128xf32, #tpu.memory_space<vmem>>)
      %add3A_228 = arith.addi %mul3A_2, %add3A_213 : i32
      %mul3A_229 = arith.constant 50 : i32
      %mul3A_230 = arith.muli %add3A_228, %mul3A_229 : i32
      %dma_start3A_231 = arith.constant 0 : i32
      %dma_start3A_232 = arith.constant 0 : i32
      %dma_start3A_233 = arith.constant 0 : i32
      %dma_start3A_234 = arith.constant 0 : i32
      %dma_start3A_235 = tpu.memref_slice %arg7[%dma_start3A_231, %dma_start3A_233, %dma_start3A_234] : memref<4x56x128xf32, #tpu.memory_space<vmem>> -> memref<1x50x128xf32, #tpu.memory_space<vmem>>
      %dma_start3A_236 = tpu.memref_squeeze %dma_start3A_235 : memref<1x50x128xf32, #tpu.memory_space<vmem>> -> memref<50x128xf32, #tpu.memory_space<vmem>>
      %dma_start3A_237 = arith.constant 0 : i32
      %dma_start3A_238 = tpu.memref_slice %arg4[%mul3A_230, %dma_start3A_237] : memref<819200x128xf32, #tpu.memory_space<hbm>> -> memref<50x128xf32, #tpu.memory_space<hbm>>
      %dma_start3A_239 = tpu.memref_slice %arg12[%dma_start3A_232] : memref<4x!tpu.dma_semaphore, #tpu.memory_space<semaphore_mem>> -> memref<1x!tpu.dma_semaphore, #tpu.memory_space<semaphore_mem>>
      %dma_start3A_240 = tpu.memref_squeeze %dma_start3A_239 : memref<1x!tpu.dma_semaphore, #tpu.memory_space<semaphore_mem>> -> memref<!tpu.dma_semaphore, #tpu.memory_space<semaphore_mem>>
      %dma_start3A_241 = arith.constant 0 : i32
      %dma_start3A_242 = tpu.memref_slice %arg4[%mul3A_230, %dma_start3A_241] : memref<819200x128xf32, #tpu.memory_space<hbm>> -> memref<50x128xf32, #tpu.memory_space<hbm>>
      %dma_start3A_243 = arith.constant 0 : i32
      %dma_start3A_244 = arith.constant 0 : i32
      %dma_start3A_245 = tpu.memref_slice %arg7[%dma_start3A_231, %dma_start3A_243, %dma_start3A_244] : memref<4x56x128xf32, #tpu.memory_space<vmem>> -> memref<1x50x128xf32, #tpu.memory_space<vmem>>
      %dma_start3A_246 = tpu.memref_squeeze %dma_start3A_245 : memref<1x50x128xf32, #tpu.memory_space<vmem>> -> memref<50x128xf32, #tpu.memory_space<vmem>>
      tpu.enqueue_dma source(%dma_start3A_246 : memref<50x128xf32, #tpu.memory_space<vmem>>) target(%dma_start3A_242 : memref<50x128xf32, #tpu.memory_space<hbm>>) target_semaphore(%dma_start3A_240 : memref<!tpu.dma_semaphore, #tpu.memory_space<semaphore_mem>>)
      %lt3A_247 = arith.constant 127 : i32
      %lt3A_248 = arith.cmpi slt, %scan3A_209, %lt3A_247 : i32
      %convert_element_type3A_249 = arith.extui %lt3A_248 : i1 to i32
      %cond3A_250 = arith.constant 0 : i32
      %cond3A_251 = arith.cmpi ne, %convert_element_type3A_249, %cond3A_250 : i32
      scf.if %cond3A_251 {
        %add3A_378 = arith.addi %mul3A_2, %add3A_213 : i32
        %mul3A_379 = arith.constant 50 : i32
        %mul3A_380 = arith.muli %add3A_378, %mul3A_379 : i32
        %dma_wait3A_381 = arith.constant 0 : i32
        %dma_wait3A_382 = arith.constant 0 : i32
        %dma_wait3A_383 = arith.constant 0 : i32
        %dma_wait3A_384 = arith.constant 0 : i32
        %dma_wait3A_385 = tpu.memref_slice %arg7[%dma_wait3A_381, %dma_wait3A_383, %dma_wait3A_384] : memref<4x56x128xf32, #tpu.memory_space<vmem>> -> memref<1x50x128xf32, #tpu.memory_space<vmem>>
        %dma_wait3A_386 = tpu.memref_squeeze %dma_wait3A_385 : memref<1x50x128xf32, #tpu.memory_space<vmem>> -> memref<50x128xf32, #tpu.memory_space<vmem>>
        %dma_wait3A_387 = arith.constant 0 : i32
        %dma_wait3A_388 = tpu.memref_slice %arg4[%mul3A_380, %dma_wait3A_387] : memref<819200x128xf32, #tpu.memory_space<hbm>> -> memref<50x128xf32, #tpu.memory_space<hbm>>
        %dma_wait3A_389 = tpu.memref_slice %arg12[%dma_wait3A_382] : memref<4x!tpu.dma_semaphore, #tpu.memory_space<semaphore_mem>> -> memref<1x!tpu.dma_semaphore, #tpu.memory_space<semaphore_mem>>
        %dma_wait3A_390 = tpu.memref_squeeze %dma_wait3A_389 : memref<1x!tpu.dma_semaphore, #tpu.memory_space<semaphore_mem>> -> memref<!tpu.dma_semaphore, #tpu.memory_space<semaphore_mem>>
        %dma_wait3A_391 = arith.constant 0 : i32
        %dma_wait3A_392 = tpu.memref_slice %arg4[%mul3A_380, %dma_wait3A_391] : memref<819200x128xf32, #tpu.memory_space<hbm>> -> memref<50x128xf32, #tpu.memory_space<hbm>>
        %dma_wait3A_393 = arith.constant 0 : i32
        %dma_wait3A_394 = arith.constant 0 : i32
        %dma_wait3A_395 = tpu.memref_slice %arg7[%dma_wait3A_381, %dma_wait3A_393, %dma_wait3A_394] : memref<4x56x128xf32, #tpu.memory_space<vmem>> -> memref<1x50x128xf32, #tpu.memory_space<vmem>>
        %dma_wait3A_396 = tpu.memref_squeeze %dma_wait3A_395 : memref<1x50x128xf32, #tpu.memory_space<vmem>> -> memref<50x128xf32, #tpu.memory_space<vmem>>
        tpu.wait_dma2 semaphore(%dma_wait3A_390 : memref<!tpu.dma_semaphore, #tpu.memory_space<semaphore_mem>>) src(%dma_wait3A_396 : memref<50x128xf32, #tpu.memory_space<vmem>>) dst(%dma_wait3A_392 : memref<50x128xf32, #tpu.memory_space<hbm>>)
        %add3A_397 = arith.constant 4 : i32
        %add3A_398 = arith.addi %add3A_213, %add3A_397 : i32
        %dma_start3A_399 = arith.constant 0 : i32
        %dma_start3A_400 = arith.constant 0 : i32
        %dma_start3A_401 = arith.constant 0 : i32
        %dma_start3A_402 = arith.constant 0 : i32
        %dma_start3A_403 = tpu.memref_slice %arg7[%dma_start3A_399, %dma_start3A_401, %dma_start3A_402] : memref<4x56x128xf32, #tpu.memory_space<vmem>> -> memref<1x56x128xf32, #tpu.memory_space<vmem>>
        %dma_start3A_404 = tpu.memref_squeeze %dma_start3A_403 : memref<1x56x128xf32, #tpu.memory_space<vmem>> -> memref<56x128xf32, #tpu.memory_space<vmem>>
        %dma_start3A_405 = arith.constant 0 : i32
        %dma_start3A_406 = tpu.memref_slice %arg6[%add3A_398, %dma_start3A_405] : memref<512x64xi32, #tpu.memory_space<vmem>> -> memref<1x56xi32, #tpu.memory_space<vmem>>
        %dma_start3A_407 = tpu.memref_squeeze %dma_start3A_406 : memref<1x56xi32, #tpu.memory_space<vmem>> -> memref<56xi32, #tpu.memory_space<vmem>>
        %dma_start3A_408 = arith.constant 0 : i32
        %dma_start3A_409 = arith.constant 0 : i32
        %dma_start3A_410 = tpu.memref_slice %arg10[%dma_start3A_408, %dma_start3A_409] : memref<1156x128xf32, #tpu.memory_space<vmem_shared>> -> memref<1156x128xf32, #tpu.memory_space<vmem_shared>>
        %dma_start3A_411 = tpu.memref_slice %arg11[%dma_start3A_400] : memref<4x!tpu.dma_semaphore, #tpu.memory_space<semaphore_mem>> -> memref<1x!tpu.dma_semaphore, #tpu.memory_space<semaphore_mem>>
        %dma_start3A_412 = tpu.memref_squeeze %dma_start3A_411 : memref<1x!tpu.dma_semaphore, #tpu.memory_space<semaphore_mem>> -> memref<!tpu.dma_semaphore, #tpu.memory_space<semaphore_mem>>
        tpu.enqueue_indirect_dma source(%dma_start3A_410 : memref<1156x128xf32, #tpu.memory_space<vmem_shared>>) target(%dma_start3A_404 : memref<56x128xf32, #tpu.memory_space<vmem>>) offsets(%dma_start3A_407 : memref<56xi32, #tpu.memory_space<vmem>>) semaphore(%dma_start3A_412 : memref<!tpu.dma_semaphore, #tpu.memory_space<semaphore_mem>>)
      } else {
      }
      %mul3A_252 = arith.constant 4 : i32
      %mul3A_253 = arith.muli %scan3A_209, %mul3A_252 : i32
      %add3A_254 = arith.constant 1 : i32
      %add3A_255 = arith.addi %mul3A_253, %add3A_254 : i32
      %dma_wait3A_256 = arith.constant 1 : i32
      %dma_wait3A_257 = arith.constant 1 : i32
      %dma_wait3A_258 = arith.constant 0 : i32
      %dma_wait3A_259 = arith.constant 0 : i32
      %dma_wait3A_260 = tpu.memref_slice %arg7[%dma_wait3A_256, %dma_wait3A_258, %dma_wait3A_259] : memref<4x56x128xf32, #tpu.memory_space<vmem>> -> memref<1x56x128xf32, #tpu.memory_space<vmem>>
      %dma_wait3A_261 = tpu.memref_squeeze %dma_wait3A_260 : memref<1x56x128xf32, #tpu.memory_space<vmem>> -> memref<56x128xf32, #tpu.memory_space<vmem>>
      %dma_wait3A_262 = arith.constant 0 : i32
      %dma_wait3A_263 = tpu.memref_slice %arg6[%add3A_255, %dma_wait3A_262] : memref<512x64xi32, #tpu.memory_space<vmem>> -> memref<1x56xi32, #tpu.memory_space<vmem>>
      %dma_wait3A_264 = tpu.memref_squeeze %dma_wait3A_263 : memref<1x56xi32, #tpu.memory_space<vmem>> -> memref<56xi32, #tpu.memory_space<vmem>>
      %dma_wait3A_265 = arith.constant 0 : i32
      %dma_wait3A_266 = arith.constant 0 : i32
      %dma_wait3A_267 = tpu.memref_slice %arg10[%dma_wait3A_265, %dma_wait3A_266] : memref<1156x128xf32, #tpu.memory_space<vmem_shared>> -> memref<1156x128xf32, #tpu.memory_space<vmem_shared>>
      %dma_wait3A_268 = tpu.memref_slice %arg11[%dma_wait3A_257] : memref<4x!tpu.dma_semaphore, #tpu.memory_space<semaphore_mem>> -> memref<1x!tpu.dma_semaphore, #tpu.memory_space<semaphore_mem>>
      %dma_wait3A_269 = tpu.memref_squeeze %dma_wait3A_268 : memref<1x!tpu.dma_semaphore, #tpu.memory_space<semaphore_mem>> -> memref<!tpu.dma_semaphore, #tpu.memory_space<semaphore_mem>>
      tpu.wait_indirect_dma semaphore(%dma_wait3A_269 : memref<!tpu.dma_semaphore, #tpu.memory_space<semaphore_mem>>) src(%dma_wait3A_267 : memref<1156x128xf32, #tpu.memory_space<vmem_shared>>) dst(%dma_wait3A_261 : memref<56x128xf32, #tpu.memory_space<vmem>>)
      %add3A_270 = arith.addi %mul3A_2, %add3A_255 : i32
      %mul3A_271 = arith.constant 50 : i32
      %mul3A_272 = arith.muli %add3A_270, %mul3A_271 : i32
      %dma_start3A_273 = arith.constant 1 : i32
      %dma_start3A_274 = arith.constant 1 : i32
      %dma_start3A_275 = arith.constant 0 : i32
      %dma_start3A_276 = arith.constant 0 : i32
      %dma_start3A_277 = tpu.memref_slice %arg7[%dma_start3A_273, %dma_start3A_275, %dma_start3A_276] : memref<4x56x128xf32, #tpu.memory_space<vmem>> -> memref<1x50x128xf32, #tpu.memory_space<vmem>>
      %dma_start3A_278 = tpu.memref_squeeze %dma_start3A_277 : memref<1x50x128xf32, #tpu.memory_space<vmem>> -> memref<50x128xf32, #tpu.memory_space<vmem>>
      %dma_start3A_279 = arith.constant 0 : i32
      %dma_start3A_280 = tpu.memref_slice %arg4[%mul3A_272, %dma_start3A_279] : memref<819200x128xf32, #tpu.memory_space<hbm>> -> memref<50x128xf32, #tpu.memory_space<hbm>>
      %dma_start3A_281 = tpu.memref_slice %arg12[%dma_start3A_274] : memref<4x!tpu.dma_semaphore, #tpu.memory_space<semaphore_mem>> -> memref<1x!tpu.dma_semaphore, #tpu.memory_space<semaphore_mem>>
      %dma_start3A_282 = tpu.memref_squeeze %dma_start3A_281 : memref<1x!tpu.dma_semaphore, #tpu.memory_space<semaphore_mem>> -> memref<!tpu.dma_semaphore, #tpu.memory_space<semaphore_mem>>
      %dma_start3A_283 = arith.constant 0 : i32
      %dma_start3A_284 = tpu.memref_slice %arg4[%mul3A_272, %dma_start3A_283] : memref<819200x128xf32, #tpu.memory_space<hbm>> -> memref<50x128xf32, #tpu.memory_space<hbm>>
      %dma_start3A_285 = arith.constant 0 : i32
      %dma_start3A_286 = arith.constant 0 : i32
      %dma_start3A_287 = tpu.memref_slice %arg7[%dma_start3A_273, %dma_start3A_285, %dma_start3A_286] : memref<4x56x128xf32, #tpu.memory_space<vmem>> -> memref<1x50x128xf32, #tpu.memory_space<vmem>>
      %dma_start3A_288 = tpu.memref_squeeze %dma_start3A_287 : memref<1x50x128xf32, #tpu.memory_space<vmem>> -> memref<50x128xf32, #tpu.memory_space<vmem>>
      tpu.enqueue_dma source(%dma_start3A_288 : memref<50x128xf32, #tpu.memory_space<vmem>>) target(%dma_start3A_284 : memref<50x128xf32, #tpu.memory_space<hbm>>) target_semaphore(%dma_start3A_282 : memref<!tpu.dma_semaphore, #tpu.memory_space<semaphore_mem>>)
      %lt3A_289 = arith.constant 127 : i32
      %lt3A_290 = arith.cmpi slt, %scan3A_209, %lt3A_289 : i32
      %convert_element_type3A_291 = arith.extui %lt3A_290 : i1 to i32
      %cond3A_292 = arith.constant 0 : i32
      %cond3A_293 = arith.cmpi ne, %convert_element_type3A_291, %cond3A_292 : i32
      scf.if %cond3A_293 {
        %add3A_378 = arith.addi %mul3A_2, %add3A_255 : i32
        %mul3A_379 = arith.constant 50 : i32
        %mul3A_380 = arith.muli %add3A_378, %mul3A_379 : i32
        %dma_wait3A_381 = arith.constant 1 : i32
        %dma_wait3A_382 = arith.constant 1 : i32
        %dma_wait3A_383 = arith.constant 0 : i32
        %dma_wait3A_384 = arith.constant 0 : i32
        %dma_wait3A_385 = tpu.memref_slice %arg7[%dma_wait3A_381, %dma_wait3A_383, %dma_wait3A_384] : memref<4x56x128xf32, #tpu.memory_space<vmem>> -> memref<1x50x128xf32, #tpu.memory_space<vmem>>
        %dma_wait3A_386 = tpu.memref_squeeze %dma_wait3A_385 : memref<1x50x128xf32, #tpu.memory_space<vmem>> -> memref<50x128xf32, #tpu.memory_space<vmem>>
        %dma_wait3A_387 = arith.constant 0 : i32
        %dma_wait3A_388 = tpu.memref_slice %arg4[%mul3A_380, %dma_wait3A_387] : memref<819200x128xf32, #tpu.memory_space<hbm>> -> memref<50x128xf32, #tpu.memory_space<hbm>>
        %dma_wait3A_389 = tpu.memref_slice %arg12[%dma_wait3A_382] : memref<4x!tpu.dma_semaphore, #tpu.memory_space<semaphore_mem>> -> memref<1x!tpu.dma_semaphore, #tpu.memory_space<semaphore_mem>>
        %dma_wait3A_390 = tpu.memref_squeeze %dma_wait3A_389 : memref<1x!tpu.dma_semaphore, #tpu.memory_space<semaphore_mem>> -> memref<!tpu.dma_semaphore, #tpu.memory_space<semaphore_mem>>
        %dma_wait3A_391 = arith.constant 0 : i32
        %dma_wait3A_392 = tpu.memref_slice %arg4[%mul3A_380, %dma_wait3A_391] : memref<819200x128xf32, #tpu.memory_space<hbm>> -> memref<50x128xf32, #tpu.memory_space<hbm>>
        %dma_wait3A_393 = arith.constant 0 : i32
        %dma_wait3A_394 = arith.constant 0 : i32
        %dma_wait3A_395 = tpu.memref_slice %arg7[%dma_wait3A_381, %dma_wait3A_393, %dma_wait3A_394] : memref<4x56x128xf32, #tpu.memory_space<vmem>> -> memref<1x50x128xf32, #tpu.memory_space<vmem>>
        %dma_wait3A_396 = tpu.memref_squeeze %dma_wait3A_395 : memref<1x50x128xf32, #tpu.memory_space<vmem>> -> memref<50x128xf32, #tpu.memory_space<vmem>>
        tpu.wait_dma2 semaphore(%dma_wait3A_390 : memref<!tpu.dma_semaphore, #tpu.memory_space<semaphore_mem>>) src(%dma_wait3A_396 : memref<50x128xf32, #tpu.memory_space<vmem>>) dst(%dma_wait3A_392 : memref<50x128xf32, #tpu.memory_space<hbm>>)
        %add3A_397 = arith.constant 4 : i32
        %add3A_398 = arith.addi %add3A_255, %add3A_397 : i32
        %dma_start3A_399 = arith.constant 1 : i32
        %dma_start3A_400 = arith.constant 1 : i32
        %dma_start3A_401 = arith.constant 0 : i32
        %dma_start3A_402 = arith.constant 0 : i32
        %dma_start3A_403 = tpu.memref_slice %arg7[%dma_start3A_399, %dma_start3A_401, %dma_start3A_402] : memref<4x56x128xf32, #tpu.memory_space<vmem>> -> memref<1x56x128xf32, #tpu.memory_space<vmem>>
        %dma_start3A_404 = tpu.memref_squeeze %dma_start3A_403 : memref<1x56x128xf32, #tpu.memory_space<vmem>> -> memref<56x128xf32, #tpu.memory_space<vmem>>
        %dma_start3A_405 = arith.constant 0 : i32
        %dma_start3A_406 = tpu.memref_slice %arg6[%add3A_398, %dma_start3A_405] : memref<512x64xi32, #tpu.memory_space<vmem>> -> memref<1x56xi32, #tpu.memory_space<vmem>>
        %dma_start3A_407 = tpu.memref_squeeze %dma_start3A_406 : memref<1x56xi32, #tpu.memory_space<vmem>> -> memref<56xi32, #tpu.memory_space<vmem>>
        %dma_start3A_408 = arith.constant 0 : i32
        %dma_start3A_409 = arith.constant 0 : i32
        %dma_start3A_410 = tpu.memref_slice %arg10[%dma_start3A_408, %dma_start3A_409] : memref<1156x128xf32, #tpu.memory_space<vmem_shared>> -> memref<1156x128xf32, #tpu.memory_space<vmem_shared>>
        %dma_start3A_411 = tpu.memref_slice %arg11[%dma_start3A_400] : memref<4x!tpu.dma_semaphore, #tpu.memory_space<semaphore_mem>> -> memref<1x!tpu.dma_semaphore, #tpu.memory_space<semaphore_mem>>
        %dma_start3A_412 = tpu.memref_squeeze %dma_start3A_411 : memref<1x!tpu.dma_semaphore, #tpu.memory_space<semaphore_mem>> -> memref<!tpu.dma_semaphore, #tpu.memory_space<semaphore_mem>>
        tpu.enqueue_indirect_dma source(%dma_start3A_410 : memref<1156x128xf32, #tpu.memory_space<vmem_shared>>) target(%dma_start3A_404 : memref<56x128xf32, #tpu.memory_space<vmem>>) offsets(%dma_start3A_407 : memref<56xi32, #tpu.memory_space<vmem>>) semaphore(%dma_start3A_412 : memref<!tpu.dma_semaphore, #tpu.memory_space<semaphore_mem>>)
      } else {
      }
      %mul3A_294 = arith.constant 4 : i32
      %mul3A_295 = arith.muli %scan3A_209, %mul3A_294 : i32
      %add3A_296 = arith.constant 2 : i32
      %add3A_297 = arith.addi %mul3A_295, %add3A_296 : i32
      %dma_wait3A_298 = arith.constant 2 : i32
      %dma_wait3A_299 = arith.constant 2 : i32
      %dma_wait3A_300 = arith.constant 0 : i32
      %dma_wait3A_301 = arith.constant 0 : i32
      %dma_wait3A_302 = tpu.memref_slice %arg7[%dma_wait3A_298, %dma_wait3A_300, %dma_wait3A_301] : memref<4x56x128xf32, #tpu.memory_space<vmem>> -> memref<1x56x128xf32, #tpu.memory_space<vmem>>
      %dma_wait3A_303 = tpu.memref_squeeze %dma_wait3A_302 : memref<1x56x128xf32, #tpu.memory_space<vmem>> -> memref<56x128xf32, #tpu.memory_space<vmem>>
      %dma_wait3A_304 = arith.constant 0 : i32
      %dma_wait3A_305 = tpu.memref_slice %arg6[%add3A_297, %dma_wait3A_304] : memref<512x64xi32, #tpu.memory_space<vmem>> -> memref<1x56xi32, #tpu.memory_space<vmem>>
      %dma_wait3A_306 = tpu.memref_squeeze %dma_wait3A_305 : memref<1x56xi32, #tpu.memory_space<vmem>> -> memref<56xi32, #tpu.memory_space<vmem>>
      %dma_wait3A_307 = arith.constant 0 : i32
      %dma_wait3A_308 = arith.constant 0 : i32
      %dma_wait3A_309 = tpu.memref_slice %arg10[%dma_wait3A_307, %dma_wait3A_308] : memref<1156x128xf32, #tpu.memory_space<vmem_shared>> -> memref<1156x128xf32, #tpu.memory_space<vmem_shared>>
      %dma_wait3A_310 = tpu.memref_slice %arg11[%dma_wait3A_299] : memref<4x!tpu.dma_semaphore, #tpu.memory_space<semaphore_mem>> -> memref<1x!tpu.dma_semaphore, #tpu.memory_space<semaphore_mem>>
      %dma_wait3A_311 = tpu.memref_squeeze %dma_wait3A_310 : memref<1x!tpu.dma_semaphore, #tpu.memory_space<semaphore_mem>> -> memref<!tpu.dma_semaphore, #tpu.memory_space<semaphore_mem>>
      tpu.wait_indirect_dma semaphore(%dma_wait3A_311 : memref<!tpu.dma_semaphore, #tpu.memory_space<semaphore_mem>>) src(%dma_wait3A_309 : memref<1156x128xf32, #tpu.memory_space<vmem_shared>>) dst(%dma_wait3A_303 : memref<56x128xf32, #tpu.memory_space<vmem>>)
      %add3A_312 = arith.addi %mul3A_2, %add3A_297 : i32
      %mul3A_313 = arith.constant 50 : i32
      %mul3A_314 = arith.muli %add3A_312, %mul3A_313 : i32
      %dma_start3A_315 = arith.constant 2 : i32
      %dma_start3A_316 = arith.constant 2 : i32
      %dma_start3A_317 = arith.constant 0 : i32
      %dma_start3A_318 = arith.constant 0 : i32
      %dma_start3A_319 = tpu.memref_slice %arg7[%dma_start3A_315, %dma_start3A_317, %dma_start3A_318] : memref<4x56x128xf32, #tpu.memory_space<vmem>> -> memref<1x50x128xf32, #tpu.memory_space<vmem>>
      %dma_start3A_320 = tpu.memref_squeeze %dma_start3A_319 : memref<1x50x128xf32, #tpu.memory_space<vmem>> -> memref<50x128xf32, #tpu.memory_space<vmem>>
      %dma_start3A_321 = arith.constant 0 : i32
      %dma_start3A_322 = tpu.memref_slice %arg4[%mul3A_314, %dma_start3A_321] : memref<819200x128xf32, #tpu.memory_space<hbm>> -> memref<50x128xf32, #tpu.memory_space<hbm>>
      %dma_start3A_323 = tpu.memref_slice %arg12[%dma_start3A_316] : memref<4x!tpu.dma_semaphore, #tpu.memory_space<semaphore_mem>> -> memref<1x!tpu.dma_semaphore, #tpu.memory_space<semaphore_mem>>
      %dma_start3A_324 = tpu.memref_squeeze %dma_start3A_323 : memref<1x!tpu.dma_semaphore, #tpu.memory_space<semaphore_mem>> -> memref<!tpu.dma_semaphore, #tpu.memory_space<semaphore_mem>>
      %dma_start3A_325 = arith.constant 0 : i32
      %dma_start3A_326 = tpu.memref_slice %arg4[%mul3A_314, %dma_start3A_325] : memref<819200x128xf32, #tpu.memory_space<hbm>> -> memref<50x128xf32, #tpu.memory_space<hbm>>
      %dma_start3A_327 = arith.constant 0 : i32
      %dma_start3A_328 = arith.constant 0 : i32
      %dma_start3A_329 = tpu.memref_slice %arg7[%dma_start3A_315, %dma_start3A_327, %dma_start3A_328] : memref<4x56x128xf32, #tpu.memory_space<vmem>> -> memref<1x50x128xf32, #tpu.memory_space<vmem>>
      %dma_start3A_330 = tpu.memref_squeeze %dma_start3A_329 : memref<1x50x128xf32, #tpu.memory_space<vmem>> -> memref<50x128xf32, #tpu.memory_space<vmem>>
      tpu.enqueue_dma source(%dma_start3A_330 : memref<50x128xf32, #tpu.memory_space<vmem>>) target(%dma_start3A_326 : memref<50x128xf32, #tpu.memory_space<hbm>>) target_semaphore(%dma_start3A_324 : memref<!tpu.dma_semaphore, #tpu.memory_space<semaphore_mem>>)
      %lt3A_331 = arith.constant 127 : i32
      %lt3A_332 = arith.cmpi slt, %scan3A_209, %lt3A_331 : i32
      %convert_element_type3A_333 = arith.extui %lt3A_332 : i1 to i32
      %cond3A_334 = arith.constant 0 : i32
      %cond3A_335 = arith.cmpi ne, %convert_element_type3A_333, %cond3A_334 : i32
      scf.if %cond3A_335 {
        %add3A_378 = arith.addi %mul3A_2, %add3A_297 : i32
        %mul3A_379 = arith.constant 50 : i32
        %mul3A_380 = arith.muli %add3A_378, %mul3A_379 : i32
        %dma_wait3A_381 = arith.constant 2 : i32
        %dma_wait3A_382 = arith.constant 2 : i32
        %dma_wait3A_383 = arith.constant 0 : i32
        %dma_wait3A_384 = arith.constant 0 : i32
        %dma_wait3A_385 = tpu.memref_slice %arg7[%dma_wait3A_381, %dma_wait3A_383, %dma_wait3A_384] : memref<4x56x128xf32, #tpu.memory_space<vmem>> -> memref<1x50x128xf32, #tpu.memory_space<vmem>>
        %dma_wait3A_386 = tpu.memref_squeeze %dma_wait3A_385 : memref<1x50x128xf32, #tpu.memory_space<vmem>> -> memref<50x128xf32, #tpu.memory_space<vmem>>
        %dma_wait3A_387 = arith.constant 0 : i32
        %dma_wait3A_388 = tpu.memref_slice %arg4[%mul3A_380, %dma_wait3A_387] : memref<819200x128xf32, #tpu.memory_space<hbm>> -> memref<50x128xf32, #tpu.memory_space<hbm>>
        %dma_wait3A_389 = tpu.memref_slice %arg12[%dma_wait3A_382] : memref<4x!tpu.dma_semaphore, #tpu.memory_space<semaphore_mem>> -> memref<1x!tpu.dma_semaphore, #tpu.memory_space<semaphore_mem>>
        %dma_wait3A_390 = tpu.memref_squeeze %dma_wait3A_389 : memref<1x!tpu.dma_semaphore, #tpu.memory_space<semaphore_mem>> -> memref<!tpu.dma_semaphore, #tpu.memory_space<semaphore_mem>>
        %dma_wait3A_391 = arith.constant 0 : i32
        %dma_wait3A_392 = tpu.memref_slice %arg4[%mul3A_380, %dma_wait3A_391] : memref<819200x128xf32, #tpu.memory_space<hbm>> -> memref<50x128xf32, #tpu.memory_space<hbm>>
        %dma_wait3A_393 = arith.constant 0 : i32
        %dma_wait3A_394 = arith.constant 0 : i32
        %dma_wait3A_395 = tpu.memref_slice %arg7[%dma_wait3A_381, %dma_wait3A_393, %dma_wait3A_394] : memref<4x56x128xf32, #tpu.memory_space<vmem>> -> memref<1x50x128xf32, #tpu.memory_space<vmem>>
        %dma_wait3A_396 = tpu.memref_squeeze %dma_wait3A_395 : memref<1x50x128xf32, #tpu.memory_space<vmem>> -> memref<50x128xf32, #tpu.memory_space<vmem>>
        tpu.wait_dma2 semaphore(%dma_wait3A_390 : memref<!tpu.dma_semaphore, #tpu.memory_space<semaphore_mem>>) src(%dma_wait3A_396 : memref<50x128xf32, #tpu.memory_space<vmem>>) dst(%dma_wait3A_392 : memref<50x128xf32, #tpu.memory_space<hbm>>)
        %add3A_397 = arith.constant 4 : i32
        %add3A_398 = arith.addi %add3A_297, %add3A_397 : i32
        %dma_start3A_399 = arith.constant 2 : i32
        %dma_start3A_400 = arith.constant 2 : i32
        %dma_start3A_401 = arith.constant 0 : i32
        %dma_start3A_402 = arith.constant 0 : i32
        %dma_start3A_403 = tpu.memref_slice %arg7[%dma_start3A_399, %dma_start3A_401, %dma_start3A_402] : memref<4x56x128xf32, #tpu.memory_space<vmem>> -> memref<1x56x128xf32, #tpu.memory_space<vmem>>
        %dma_start3A_404 = tpu.memref_squeeze %dma_start3A_403 : memref<1x56x128xf32, #tpu.memory_space<vmem>> -> memref<56x128xf32, #tpu.memory_space<vmem>>
        %dma_start3A_405 = arith.constant 0 : i32
        %dma_start3A_406 = tpu.memref_slice %arg6[%add3A_398, %dma_start3A_405] : memref<512x64xi32, #tpu.memory_space<vmem>> -> memref<1x56xi32, #tpu.memory_space<vmem>>
        %dma_start3A_407 = tpu.memref_squeeze %dma_start3A_406 : memref<1x56xi32, #tpu.memory_space<vmem>> -> memref<56xi32, #tpu.memory_space<vmem>>
        %dma_start3A_408 = arith.constant 0 : i32
        %dma_start3A_409 = arith.constant 0 : i32
        %dma_start3A_410 = tpu.memref_slice %arg10[%dma_start3A_408, %dma_start3A_409] : memref<1156x128xf32, #tpu.memory_space<vmem_shared>> -> memref<1156x128xf32, #tpu.memory_space<vmem_shared>>
        %dma_start3A_411 = tpu.memref_slice %arg11[%dma_start3A_400] : memref<4x!tpu.dma_semaphore, #tpu.memory_space<semaphore_mem>> -> memref<1x!tpu.dma_semaphore, #tpu.memory_space<semaphore_mem>>
        %dma_start3A_412 = tpu.memref_squeeze %dma_start3A_411 : memref<1x!tpu.dma_semaphore, #tpu.memory_space<semaphore_mem>> -> memref<!tpu.dma_semaphore, #tpu.memory_space<semaphore_mem>>
        tpu.enqueue_indirect_dma source(%dma_start3A_410 : memref<1156x128xf32, #tpu.memory_space<vmem_shared>>) target(%dma_start3A_404 : memref<56x128xf32, #tpu.memory_space<vmem>>) offsets(%dma_start3A_407 : memref<56xi32, #tpu.memory_space<vmem>>) semaphore(%dma_start3A_412 : memref<!tpu.dma_semaphore, #tpu.memory_space<semaphore_mem>>)
      } else {
      }
      %mul3A_336 = arith.constant 4 : i32
      %mul3A_337 = arith.muli %scan3A_209, %mul3A_336 : i32
      %add3A_338 = arith.constant 3 : i32
      %add3A_339 = arith.addi %mul3A_337, %add3A_338 : i32
      %dma_wait3A_340 = arith.constant 3 : i32
      %dma_wait3A_341 = arith.constant 3 : i32
      %dma_wait3A_342 = arith.constant 0 : i32
      %dma_wait3A_343 = arith.constant 0 : i32
      %dma_wait3A_344 = tpu.memref_slice %arg7[%dma_wait3A_340, %dma_wait3A_342, %dma_wait3A_343] : memref<4x56x128xf32, #tpu.memory_space<vmem>> -> memref<1x56x128xf32, #tpu.memory_space<vmem>>
      %dma_wait3A_345 = tpu.memref_squeeze %dma_wait3A_344 : memref<1x56x128xf32, #tpu.memory_space<vmem>> -> memref<56x128xf32, #tpu.memory_space<vmem>>
      %dma_wait3A_346 = arith.constant 0 : i32
      %dma_wait3A_347 = tpu.memref_slice %arg6[%add3A_339, %dma_wait3A_346] : memref<512x64xi32, #tpu.memory_space<vmem>> -> memref<1x56xi32, #tpu.memory_space<vmem>>
      %dma_wait3A_348 = tpu.memref_squeeze %dma_wait3A_347 : memref<1x56xi32, #tpu.memory_space<vmem>> -> memref<56xi32, #tpu.memory_space<vmem>>
      %dma_wait3A_349 = arith.constant 0 : i32
      %dma_wait3A_350 = arith.constant 0 : i32
      %dma_wait3A_351 = tpu.memref_slice %arg10[%dma_wait3A_349, %dma_wait3A_350] : memref<1156x128xf32, #tpu.memory_space<vmem_shared>> -> memref<1156x128xf32, #tpu.memory_space<vmem_shared>>
      %dma_wait3A_352 = tpu.memref_slice %arg11[%dma_wait3A_341] : memref<4x!tpu.dma_semaphore, #tpu.memory_space<semaphore_mem>> -> memref<1x!tpu.dma_semaphore, #tpu.memory_space<semaphore_mem>>
      %dma_wait3A_353 = tpu.memref_squeeze %dma_wait3A_352 : memref<1x!tpu.dma_semaphore, #tpu.memory_space<semaphore_mem>> -> memref<!tpu.dma_semaphore, #tpu.memory_space<semaphore_mem>>
      tpu.wait_indirect_dma semaphore(%dma_wait3A_353 : memref<!tpu.dma_semaphore, #tpu.memory_space<semaphore_mem>>) src(%dma_wait3A_351 : memref<1156x128xf32, #tpu.memory_space<vmem_shared>>) dst(%dma_wait3A_345 : memref<56x128xf32, #tpu.memory_space<vmem>>)
      %add3A_354 = arith.addi %mul3A_2, %add3A_339 : i32
      %mul3A_355 = arith.constant 50 : i32
      %mul3A_356 = arith.muli %add3A_354, %mul3A_355 : i32
      %dma_start3A_357 = arith.constant 3 : i32
      %dma_start3A_358 = arith.constant 3 : i32
      %dma_start3A_359 = arith.constant 0 : i32
      %dma_start3A_360 = arith.constant 0 : i32
      %dma_start3A_361 = tpu.memref_slice %arg7[%dma_start3A_357, %dma_start3A_359, %dma_start3A_360] : memref<4x56x128xf32, #tpu.memory_space<vmem>> -> memref<1x50x128xf32, #tpu.memory_space<vmem>>
      %dma_start3A_362 = tpu.memref_squeeze %dma_start3A_361 : memref<1x50x128xf32, #tpu.memory_space<vmem>> -> memref<50x128xf32, #tpu.memory_space<vmem>>
      %dma_start3A_363 = arith.constant 0 : i32
      %dma_start3A_364 = tpu.memref_slice %arg4[%mul3A_356, %dma_start3A_363] : memref<819200x128xf32, #tpu.memory_space<hbm>> -> memref<50x128xf32, #tpu.memory_space<hbm>>
      %dma_start3A_365 = tpu.memref_slice %arg12[%dma_start3A_358] : memref<4x!tpu.dma_semaphore, #tpu.memory_space<semaphore_mem>> -> memref<1x!tpu.dma_semaphore, #tpu.memory_space<semaphore_mem>>
      %dma_start3A_366 = tpu.memref_squeeze %dma_start3A_365 : memref<1x!tpu.dma_semaphore, #tpu.memory_space<semaphore_mem>> -> memref<!tpu.dma_semaphore, #tpu.memory_space<semaphore_mem>>
      %dma_start3A_367 = arith.constant 0 : i32
      %dma_start3A_368 = tpu.memref_slice %arg4[%mul3A_356, %dma_start3A_367] : memref<819200x128xf32, #tpu.memory_space<hbm>> -> memref<50x128xf32, #tpu.memory_space<hbm>>
      %dma_start3A_369 = arith.constant 0 : i32
      %dma_start3A_370 = arith.constant 0 : i32
      %dma_start3A_371 = tpu.memref_slice %arg7[%dma_start3A_357, %dma_start3A_369, %dma_start3A_370] : memref<4x56x128xf32, #tpu.memory_space<vmem>> -> memref<1x50x128xf32, #tpu.memory_space<vmem>>
      %dma_start3A_372 = tpu.memref_squeeze %dma_start3A_371 : memref<1x50x128xf32, #tpu.memory_space<vmem>> -> memref<50x128xf32, #tpu.memory_space<vmem>>
      tpu.enqueue_dma source(%dma_start3A_372 : memref<50x128xf32, #tpu.memory_space<vmem>>) target(%dma_start3A_368 : memref<50x128xf32, #tpu.memory_space<hbm>>) target_semaphore(%dma_start3A_366 : memref<!tpu.dma_semaphore, #tpu.memory_space<semaphore_mem>>)
      %lt3A_373 = arith.constant 127 : i32
      %lt3A_374 = arith.cmpi slt, %scan3A_209, %lt3A_373 : i32
      %convert_element_type3A_375 = arith.extui %lt3A_374 : i1 to i32
      %cond3A_376 = arith.constant 0 : i32
      %cond3A_377 = arith.cmpi ne, %convert_element_type3A_375, %cond3A_376 : i32
      scf.if %cond3A_377 {
        %add3A_378 = arith.addi %mul3A_2, %add3A_339 : i32
        %mul3A_379 = arith.constant 50 : i32
        %mul3A_380 = arith.muli %add3A_378, %mul3A_379 : i32
        %dma_wait3A_381 = arith.constant 3 : i32
        %dma_wait3A_382 = arith.constant 3 : i32
        %dma_wait3A_383 = arith.constant 0 : i32
        %dma_wait3A_384 = arith.constant 0 : i32
        %dma_wait3A_385 = tpu.memref_slice %arg7[%dma_wait3A_381, %dma_wait3A_383, %dma_wait3A_384] : memref<4x56x128xf32, #tpu.memory_space<vmem>> -> memref<1x50x128xf32, #tpu.memory_space<vmem>>
        %dma_wait3A_386 = tpu.memref_squeeze %dma_wait3A_385 : memref<1x50x128xf32, #tpu.memory_space<vmem>> -> memref<50x128xf32, #tpu.memory_space<vmem>>
        %dma_wait3A_387 = arith.constant 0 : i32
        %dma_wait3A_388 = tpu.memref_slice %arg4[%mul3A_380, %dma_wait3A_387] : memref<819200x128xf32, #tpu.memory_space<hbm>> -> memref<50x128xf32, #tpu.memory_space<hbm>>
        %dma_wait3A_389 = tpu.memref_slice %arg12[%dma_wait3A_382] : memref<4x!tpu.dma_semaphore, #tpu.memory_space<semaphore_mem>> -> memref<1x!tpu.dma_semaphore, #tpu.memory_space<semaphore_mem>>
        %dma_wait3A_390 = tpu.memref_squeeze %dma_wait3A_389 : memref<1x!tpu.dma_semaphore, #tpu.memory_space<semaphore_mem>> -> memref<!tpu.dma_semaphore, #tpu.memory_space<semaphore_mem>>
        %dma_wait3A_391 = arith.constant 0 : i32
        %dma_wait3A_392 = tpu.memref_slice %arg4[%mul3A_380, %dma_wait3A_391] : memref<819200x128xf32, #tpu.memory_space<hbm>> -> memref<50x128xf32, #tpu.memory_space<hbm>>
        %dma_wait3A_393 = arith.constant 0 : i32
        %dma_wait3A_394 = arith.constant 0 : i32
        %dma_wait3A_395 = tpu.memref_slice %arg7[%dma_wait3A_381, %dma_wait3A_393, %dma_wait3A_394] : memref<4x56x128xf32, #tpu.memory_space<vmem>> -> memref<1x50x128xf32, #tpu.memory_space<vmem>>
        %dma_wait3A_396 = tpu.memref_squeeze %dma_wait3A_395 : memref<1x50x128xf32, #tpu.memory_space<vmem>> -> memref<50x128xf32, #tpu.memory_space<vmem>>
        tpu.wait_dma2 semaphore(%dma_wait3A_390 : memref<!tpu.dma_semaphore, #tpu.memory_space<semaphore_mem>>) src(%dma_wait3A_396 : memref<50x128xf32, #tpu.memory_space<vmem>>) dst(%dma_wait3A_392 : memref<50x128xf32, #tpu.memory_space<hbm>>)
        %add3A_397 = arith.constant 4 : i32
        %add3A_398 = arith.addi %add3A_339, %add3A_397 : i32
        %dma_start3A_399 = arith.constant 3 : i32
        %dma_start3A_400 = arith.constant 3 : i32
        %dma_start3A_401 = arith.constant 0 : i32
        %dma_start3A_402 = arith.constant 0 : i32
        %dma_start3A_403 = tpu.memref_slice %arg7[%dma_start3A_399, %dma_start3A_401, %dma_start3A_402] : memref<4x56x128xf32, #tpu.memory_space<vmem>> -> memref<1x56x128xf32, #tpu.memory_space<vmem>>
        %dma_start3A_404 = tpu.memref_squeeze %dma_start3A_403 : memref<1x56x128xf32, #tpu.memory_space<vmem>> -> memref<56x128xf32, #tpu.memory_space<vmem>>
        %dma_start3A_405 = arith.constant 0 : i32
        %dma_start3A_406 = tpu.memref_slice %arg6[%add3A_398, %dma_start3A_405] : memref<512x64xi32, #tpu.memory_space<vmem>> -> memref<1x56xi32, #tpu.memory_space<vmem>>
        %dma_start3A_407 = tpu.memref_squeeze %dma_start3A_406 : memref<1x56xi32, #tpu.memory_space<vmem>> -> memref<56xi32, #tpu.memory_space<vmem>>
        %dma_start3A_408 = arith.constant 0 : i32
        %dma_start3A_409 = arith.constant 0 : i32
        %dma_start3A_410 = tpu.memref_slice %arg10[%dma_start3A_408, %dma_start3A_409] : memref<1156x128xf32, #tpu.memory_space<vmem_shared>> -> memref<1156x128xf32, #tpu.memory_space<vmem_shared>>
        %dma_start3A_411 = tpu.memref_slice %arg11[%dma_start3A_400] : memref<4x!tpu.dma_semaphore, #tpu.memory_space<semaphore_mem>> -> memref<1x!tpu.dma_semaphore, #tpu.memory_space<semaphore_mem>>
        %dma_start3A_412 = tpu.memref_squeeze %dma_start3A_411 : memref<1x!tpu.dma_semaphore, #tpu.memory_space<semaphore_mem>> -> memref<!tpu.dma_semaphore, #tpu.memory_space<semaphore_mem>>
        tpu.enqueue_indirect_dma source(%dma_start3A_410 : memref<1156x128xf32, #tpu.memory_space<vmem_shared>>) target(%dma_start3A_404 : memref<56x128xf32, #tpu.memory_space<vmem>>) offsets(%dma_start3A_407 : memref<56xi32, #tpu.memory_space<vmem>>) semaphore(%dma_start3A_412 : memref<!tpu.dma_semaphore, #tpu.memory_space<semaphore_mem>>)
      } else {
      }
    }
    %scan3A_129 = arith.constant 128 : i32
    %add3A_130 = arith.constant 508 : i32
    %add3A_131 = arith.addi %mul3A_2, %add3A_130 : i32
    %mul3A_132 = arith.constant 50 : i32
    %mul3A_133 = arith.muli %add3A_131, %mul3A_132 : i32
    %dma_wait3A = arith.constant 0 : i32
    %dma_wait3A_134 = arith.constant 0 : i32
    %dma_wait3A_135 = arith.constant 0 : i32
    %dma_wait3A_136 = arith.constant 0 : i32
    %dma_wait3A_137 = tpu.memref_slice %arg7[%dma_wait3A, %dma_wait3A_135, %dma_wait3A_136] : memref<4x56x128xf32, #tpu.memory_space<vmem>> -> memref<1x50x128xf32, #tpu.memory_space<vmem>>
    %dma_wait3A_138 = tpu.memref_squeeze %dma_wait3A_137 : memref<1x50x128xf32, #tpu.memory_space<vmem>> -> memref<50x128xf32, #tpu.memory_space<vmem>>
    %dma_wait3A_139 = arith.constant 0 : i32
    %dma_wait3A_140 = tpu.memref_slice %arg4[%mul3A_133, %dma_wait3A_139] : memref<819200x128xf32, #tpu.memory_space<hbm>> -> memref<50x128xf32, #tpu.memory_space<hbm>>
    %dma_wait3A_141 = tpu.memref_slice %arg12[%dma_wait3A_134] : memref<4x!tpu.dma_semaphore, #tpu.memory_space<semaphore_mem>> -> memref<1x!tpu.dma_semaphore, #tpu.memory_space<semaphore_mem>>
    %dma_wait3A_142 = tpu.memref_squeeze %dma_wait3A_141 : memref<1x!tpu.dma_semaphore, #tpu.memory_space<semaphore_mem>> -> memref<!tpu.dma_semaphore, #tpu.memory_space<semaphore_mem>>
    %dma_wait3A_143 = arith.constant 0 : i32
    %dma_wait3A_144 = tpu.memref_slice %arg4[%mul3A_133, %dma_wait3A_143] : memref<819200x128xf32, #tpu.memory_space<hbm>> -> memref<50x128xf32, #tpu.memory_space<hbm>>
    %dma_wait3A_145 = arith.constant 0 : i32
    %dma_wait3A_146 = arith.constant 0 : i32
    %dma_wait3A_147 = tpu.memref_slice %arg7[%dma_wait3A, %dma_wait3A_145, %dma_wait3A_146] : memref<4x56x128xf32, #tpu.memory_space<vmem>> -> memref<1x50x128xf32, #tpu.memory_space<vmem>>
    %dma_wait3A_148 = tpu.memref_squeeze %dma_wait3A_147 : memref<1x50x128xf32, #tpu.memory_space<vmem>> -> memref<50x128xf32, #tpu.memory_space<vmem>>
    tpu.wait_dma2 semaphore(%dma_wait3A_142 : memref<!tpu.dma_semaphore, #tpu.memory_space<semaphore_mem>>) src(%dma_wait3A_148 : memref<50x128xf32, #tpu.memory_space<vmem>>) dst(%dma_wait3A_144 : memref<50x128xf32, #tpu.memory_space<hbm>>)
    %add3A_149 = arith.constant 509 : i32
    %add3A_150 = arith.addi %mul3A_2, %add3A_149 : i32
    %mul3A_151 = arith.constant 50 : i32
    %mul3A_152 = arith.muli %add3A_150, %mul3A_151 : i32
    %dma_wait3A_153 = arith.constant 1 : i32
    %dma_wait3A_154 = arith.constant 1 : i32
    %dma_wait3A_155 = arith.constant 0 : i32
    %dma_wait3A_156 = arith.constant 0 : i32
    %dma_wait3A_157 = tpu.memref_slice %arg7[%dma_wait3A_153, %dma_wait3A_155, %dma_wait3A_156] : memref<4x56x128xf32, #tpu.memory_space<vmem>> -> memref<1x50x128xf32, #tpu.memory_space<vmem>>
    %dma_wait3A_158 = tpu.memref_squeeze %dma_wait3A_157 : memref<1x50x128xf32, #tpu.memory_space<vmem>> -> memref<50x128xf32, #tpu.memory_space<vmem>>
    %dma_wait3A_159 = arith.constant 0 : i32
    %dma_wait3A_160 = tpu.memref_slice %arg4[%mul3A_152, %dma_wait3A_159] : memref<819200x128xf32, #tpu.memory_space<hbm>> -> memref<50x128xf32, #tpu.memory_space<hbm>>
    %dma_wait3A_161 = tpu.memref_slice %arg12[%dma_wait3A_154] : memref<4x!tpu.dma_semaphore, #tpu.memory_space<semaphore_mem>> -> memref<1x!tpu.dma_semaphore, #tpu.memory_space<semaphore_mem>>
    %dma_wait3A_162 = tpu.memref_squeeze %dma_wait3A_161 : memref<1x!tpu.dma_semaphore, #tpu.memory_space<semaphore_mem>> -> memref<!tpu.dma_semaphore, #tpu.memory_space<semaphore_mem>>
    %dma_wait3A_163 = arith.constant 0 : i32
    %dma_wait3A_164 = tpu.memref_slice %arg4[%mul3A_152, %dma_wait3A_163] : memref<819200x128xf32, #tpu.memory_space<hbm>> -> memref<50x128xf32, #tpu.memory_space<hbm>>
    %dma_wait3A_165 = arith.constant 0 : i32
    %dma_wait3A_166 = arith.constant 0 : i32
    %dma_wait3A_167 = tpu.memref_slice %arg7[%dma_wait3A_153, %dma_wait3A_165, %dma_wait3A_166] : memref<4x56x128xf32, #tpu.memory_space<vmem>> -> memref<1x50x128xf32, #tpu.memory_space<vmem>>
    %dma_wait3A_168 = tpu.memref_squeeze %dma_wait3A_167 : memref<1x50x128xf32, #tpu.memory_space<vmem>> -> memref<50x128xf32, #tpu.memory_space<vmem>>
    tpu.wait_dma2 semaphore(%dma_wait3A_162 : memref<!tpu.dma_semaphore, #tpu.memory_space<semaphore_mem>>) src(%dma_wait3A_168 : memref<50x128xf32, #tpu.memory_space<vmem>>) dst(%dma_wait3A_164 : memref<50x128xf32, #tpu.memory_space<hbm>>)
    %add3A_169 = arith.constant 510 : i32
    %add3A_170 = arith.addi %mul3A_2, %add3A_169 : i32
    %mul3A_171 = arith.constant 50 : i32
    %mul3A_172 = arith.muli %add3A_170, %mul3A_171 : i32
    %dma_wait3A_173 = arith.constant 2 : i32
    %dma_wait3A_174 = arith.constant 2 : i32
    %dma_wait3A_175 = arith.constant 0 : i32
    %dma_wait3A_176 = arith.constant 0 : i32
    %dma_wait3A_177 = tpu.memref_slice %arg7[%dma_wait3A_173, %dma_wait3A_175, %dma_wait3A_176] : memref<4x56x128xf32, #tpu.memory_space<vmem>> -> memref<1x50x128xf32, #tpu.memory_space<vmem>>
    %dma_wait3A_178 = tpu.memref_squeeze %dma_wait3A_177 : memref<1x50x128xf32, #tpu.memory_space<vmem>> -> memref<50x128xf32, #tpu.memory_space<vmem>>
    %dma_wait3A_179 = arith.constant 0 : i32
    %dma_wait3A_180 = tpu.memref_slice %arg4[%mul3A_172, %dma_wait3A_179] : memref<819200x128xf32, #tpu.memory_space<hbm>> -> memref<50x128xf32, #tpu.memory_space<hbm>>
    %dma_wait3A_181 = tpu.memref_slice %arg12[%dma_wait3A_174] : memref<4x!tpu.dma_semaphore, #tpu.memory_space<semaphore_mem>> -> memref<1x!tpu.dma_semaphore, #tpu.memory_space<semaphore_mem>>
    %dma_wait3A_182 = tpu.memref_squeeze %dma_wait3A_181 : memref<1x!tpu.dma_semaphore, #tpu.memory_space<semaphore_mem>> -> memref<!tpu.dma_semaphore, #tpu.memory_space<semaphore_mem>>
    %dma_wait3A_183 = arith.constant 0 : i32
    %dma_wait3A_184 = tpu.memref_slice %arg4[%mul3A_172, %dma_wait3A_183] : memref<819200x128xf32, #tpu.memory_space<hbm>> -> memref<50x128xf32, #tpu.memory_space<hbm>>
    %dma_wait3A_185 = arith.constant 0 : i32
    %dma_wait3A_186 = arith.constant 0 : i32
    %dma_wait3A_187 = tpu.memref_slice %arg7[%dma_wait3A_173, %dma_wait3A_185, %dma_wait3A_186] : memref<4x56x128xf32, #tpu.memory_space<vmem>> -> memref<1x50x128xf32, #tpu.memory_space<vmem>>
    %dma_wait3A_188 = tpu.memref_squeeze %dma_wait3A_187 : memref<1x50x128xf32, #tpu.memory_space<vmem>> -> memref<50x128xf32, #tpu.memory_space<vmem>>
    tpu.wait_dma2 semaphore(%dma_wait3A_182 : memref<!tpu.dma_semaphore, #tpu.memory_space<semaphore_mem>>) src(%dma_wait3A_188 : memref<50x128xf32, #tpu.memory_space<vmem>>) dst(%dma_wait3A_184 : memref<50x128xf32, #tpu.memory_space<hbm>>)
    %add3A_189 = arith.constant 511 : i32
    %add3A_190 = arith.addi %mul3A_2, %add3A_189 : i32
    %mul3A_191 = arith.constant 50 : i32
    %mul3A_192 = arith.muli %add3A_190, %mul3A_191 : i32
    %dma_wait3A_193 = arith.constant 3 : i32
    %dma_wait3A_194 = arith.constant 3 : i32
    %dma_wait3A_195 = arith.constant 0 : i32
    %dma_wait3A_196 = arith.constant 0 : i32
    %dma_wait3A_197 = tpu.memref_slice %arg7[%dma_wait3A_193, %dma_wait3A_195, %dma_wait3A_196] : memref<4x56x128xf32, #tpu.memory_space<vmem>> -> memref<1x50x128xf32, #tpu.memory_space<vmem>>
    %dma_wait3A_198 = tpu.memref_squeeze %dma_wait3A_197 : memref<1x50x128xf32, #tpu.memory_space<vmem>> -> memref<50x128xf32, #tpu.memory_space<vmem>>
    %dma_wait3A_199 = arith.constant 0 : i32
    %dma_wait3A_200 = tpu.memref_slice %arg4[%mul3A_192, %dma_wait3A_199] : memref<819200x128xf32, #tpu.memory_space<hbm>> -> memref<50x128xf32, #tpu.memory_space<hbm>>
    %dma_wait3A_201 = tpu.memref_slice %arg12[%dma_wait3A_194] : memref<4x!tpu.dma_semaphore, #tpu.memory_space<semaphore_mem>> -> memref<1x!tpu.dma_semaphore, #tpu.memory_space<semaphore_mem>>
    %dma_wait3A_202 = tpu.memref_squeeze %dma_wait3A_201 : memref<1x!tpu.dma_semaphore, #tpu.memory_space<semaphore_mem>> -> memref<!tpu.dma_semaphore, #tpu.memory_space<semaphore_mem>>
    %dma_wait3A_203 = arith.constant 0 : i32
    %dma_wait3A_204 = tpu.memref_slice %arg4[%mul3A_192, %dma_wait3A_203] : memref<819200x128xf32, #tpu.memory_space<hbm>> -> memref<50x128xf32, #tpu.memory_space<hbm>>
    %dma_wait3A_205 = arith.constant 0 : i32
    %dma_wait3A_206 = arith.constant 0 : i32
    %dma_wait3A_207 = tpu.memref_slice %arg7[%dma_wait3A_193, %dma_wait3A_205, %dma_wait3A_206] : memref<4x56x128xf32, #tpu.memory_space<vmem>> -> memref<1x50x128xf32, #tpu.memory_space<vmem>>
    %dma_wait3A_208 = tpu.memref_squeeze %dma_wait3A_207 : memref<1x50x128xf32, #tpu.memory_space<vmem>> -> memref<50x128xf32, #tpu.memory_space<vmem>>
    tpu.wait_dma2 semaphore(%dma_wait3A_202 : memref<!tpu.dma_semaphore, #tpu.memory_space<semaphore_mem>>) src(%dma_wait3A_208 : memref<50x128xf32, #tpu.memory_space<vmem>>) dst(%dma_wait3A_204 : memref<50x128xf32, #tpu.memory_space<hbm>>)
    return
  }
}

</mosaic_0001>

<sc_bundles>
// kernel: kernel.3.cloned.1.call-start
scs
__scs_entry_jumppad:
0x0: {  	(pc) =	sbr.rel $0x88, $3  }
0x1: {  	(tag) =	ssettag $0x0;
	lr =	simm.s32 $0x1  }
0x2: {  	[smem:$0x3F9F] =	sst lr;
	_ =	strace $0xD0000000  }
0x3: {  	_ = 	snop  }
0x4: {  	_ = 	snop  }
0x5: {  	_ = 	snop  }
0x6: {  	_ = 	snop  }
0x7: {  	_ = 	snop  }
__scs_overlays_trampoline_lowered:
0x8: {  	[smem:$0x3FAE] =	sst s0  }
0x9: {  	[smem:$0x3FAF] =	sst s1  }
0xa: {  	[smem:$0x3FB0] =	sst s2  }
0xb: {  	[smem:$0x3FB1] =	sst s3  }
0xc: {  	[smem:$0x3FB2] =	sst s4  }
0xd: {  	[smem:$0x3FB3] =	sst s5  }
0xe: {  	[smem:$0x3FB4] =	sst s6  }
0xf: {  	[smem:$0x3FB5] =	sst s7  }
0x10: {  	[smem:$0x3FB6] =	sst s8  }
0x11: {  	[smem:$0x3FB7] =	sst s9;
	s0 =	simm.s32 @!p0 $0x0  }
0x12: {  	s1 =	sld [smem:$0x3F9D];
	s0 =	simm.s32 @p0 $0x1  }
0x13: {  	[smem:$0x3FB8] =	sst s0;
	s0 =	simm.s32 @!p1 $0x0  }
0x14: {  	s2 =	sld [smem:$0x3F9C];
	s0 =	simm.s32 @p1 $0x1  }
0x15: {  	[smem:$0x3FB9] =	sst s0;
	s0 =	simm.s32 @!p2 $0x0  }
0x16: {  	s3 =	sld [smem:$0x3FDB];
	s0 =	simm.s32 @p2 $0x1  }
0x17: {  	s4 =	simm.s32 $0x1BF5;
	[smem:$0x3FBB] =	sst s0  }
0x18: {  	s0 =	sld [smem:$0x3F9E];
	_ =	swait.ge [sflag:s4], $0x0  }
0x19: {  	s7 =	sld [smem:$0x3F9F]  }
0x1a: {  	s8 =	sadd.s32 $0xFFFFE003, lr  }
0x1b: {  	s9 =	sadd.s32 $0xFFFFFEF7, lr;
	s5 =	simm.s32 $0xFFFFFFFF;
	p2 =	slt.u32 s8, $0xFFFFF086  }
0x1c: {  	p1 =	slt.u32 s9, $0xF7A;
	s5 =	simm.s32 @!p2 $0x0  }
0x1d: {  	s5 =	simm.s32 @p1 $0x1;
	p0 =	seq.s32 s7, s2  }
0x1e: {  	s7 =	smul.u32 @!p0 $0xF7A, s2;
	p2 =	seq.s32 @!p0 s5, $0x0  }
0x1f: {  	s9 =	smul.u32 $0xF7A, s1;
	s8 =	simm.s32 @!p0 $0x1BF5;
	p2 =	por !p2, p0  }
0x20: {  	[sflag:s8] =	ssyncset.s32 @!p0 $0xFFFFF086;
	s6 =	sadd.s32 @!p0 s3, s7;
	s7 =	simm.s32 @!p0 $0x108  }
0x21: {  	s3 =	sadd.s32 s3, s9;
	s6 =	sadd.s32 @!p0 $0x88, s6;
	s7 =	simm.s32 @p2 $0x1082  }
0x22: {  	[simem:s7], [sflag:s8] =	dma.local @!p0 [hbm:s6], $0xF7A  }
0x23: {  	s9 =	sor.u32 $0xD0000000, s2;
	s6 =	simm.s32 $0x108;
	_ =	swait.ge @!p0 [sflag:s8], $0x0  }
0x24: {  	s3 =	sadd.s32 $0x88, s3;
	s6 =	simm.s32 @!p1 $0x1082;
	[sflag:s4] =	ssyncset.s32 $0xFFFFF086  }
0x25: {  	[simem:s6], [sflag:s4] =	dma.local [hbm:s3], $0xF7A  }
0x26: {  	[smem:$0x3F9F] =	sst s1;
	(tag) =	ssettag s2;
	_ =	strace s9  }
0x27: {  	s1 =	sld [smem:$0x3FAF]  }
0x28: {  	s2 =	sld [smem:$0x3FB0]  }
0x29: {  	s4 =	sld [smem:$0x3FB2]  }
0x2a: {  	p0 =	seq.s32 s5, $0x0;
	s5 =	sld [smem:$0x3FB3]  }
0x2b: {  	s6 =	sld [smem:$0x3FB4]  }
0x2c: {  	s7 =	sld [smem:$0x3FB5]  }
0x2d: {  	s3 =	simm.s32 $0x108;
	s8 =	sld [smem:$0x3FB6]  }
0x2e: {  	s3 =	simm.s32 @!p0 $0x1082;
	s9 =	sld [smem:$0x3FB7]  }
0x2f: {  	lr =	sadd.s32 s0, s3;
	s0 =	sld [smem:$0x3FAE]  }
0x30: {  	s3 =	sld [smem:$0x3FB1]  }
0x31: {  	[smem:$0x3FBA] =	sst s10  }
0x32: {  	s10 =	sld [smem:$0x3FB8];
	_ =	sdelay $0x3  }
0x33: {  	p0 =	seq.s32 s10, $0x1;
	s10 =	sld [smem:$0x3FBA];
	_ =	sdelay $0x3  }
0x34: {  	[smem:$0x3FBA] =	sst s10  }
0x35: {  	s10 =	sld [smem:$0x3FB9];
	_ =	sdelay $0x3  }
0x36: {  	p1 =	seq.s32 s10, $0x1;
	s10 =	sld [smem:$0x3FBA];
	_ =	sdelay $0x3  }
0x37: {  	[smem:$0x3FBA] =	sst s10  }
0x38: {  	s10 =	sld [smem:$0x3FBB]  }
0x39: {  	_ = 	snop;
	(pc) =	sbr.ind lr, $3  }
0x3a: {  	_ = 	snop  }
0x3b: {  	_ = 	snop  }
0x3c: {  	p2 =	seq.s32 s10, $0x1;
	s10 =	sld [smem:$0x3FBA]  }
0x3d: {  	_ =	shalt  }
0x3e: {  	_ =	shalt  }
0x3f: {  	_ =	shalt  }
0x40: {  	_ =	shalt  }
0x41: {  	_ =	shalt  }
0x42: {  	_ =	shalt  }
0x43: {  	_ =	shalt  }
0x44: {  	_ =	shalt  }
0x45: {  	_ =	shalt  }
0x46: {  	_ =	shalt  }
0x47: {  	_ =	shalt  }
0x48: {  	_ =	shalt  }
0x49: {  	_ =	shalt  }
0x4a: {  	_ =	shalt  }
0x4b: {  	_ =	shalt  }
0x4c: {  	_ =	shalt  }
0x4d: {  	_ =	shalt  }
0x4e: {  	_ =	shalt  }
0x4f: {  	_ =	shalt  }
0x50: {  	_ =	shalt  }
0x51: {  	_ =	shalt  }
0x52: {  	_ =	shalt  }
0x53: {  	_ =	shalt  }
0x54: {  	_ =	shalt  }
0x55: {  	_ =	shalt  }
0x56: {  	_ =	shalt  }
0x57: {  	_ =	shalt  }
0x58: {  	_ =	shalt  }
0x59: {  	_ =	shalt  }
0x5a: {  	_ =	shalt  }
0x5b: {  	_ =	shalt  }
0x5c: {  	_ =	shalt  }
0x5d: {  	_ =	shalt  }
0x5e: {  	_ =	shalt  }
0x5f: {  	_ =	shalt  }
0x60: {  	_ =	shalt  }
0x61: {  	_ =	shalt  }
0x62: {  	_ =	shalt  }
0x63: {  	_ =	shalt  }
0x64: {  	_ =	shalt  }
0x65: {  	_ =	shalt  }
0x66: {  	_ =	shalt  }
0x67: {  	_ =	shalt  }
0x68: {  	_ =	shalt  }
0x69: {  	_ =	shalt  }
0x6a: {  	_ =	shalt  }
0x6b: {  	_ =	shalt  }
0x6c: {  	_ =	shalt  }
0x6d: {  	_ =	shalt  }
0x6e: {  	_ =	shalt  }
0x6f: {  	_ =	shalt  }
0x70: {  	_ =	shalt  }
0x71: {  	_ =	shalt  }
0x72: {  	_ =	shalt  }
0x73: {  	_ =	shalt  }
0x74: {  	_ =	shalt  }
0x75: {  	_ =	shalt  }
0x76: {  	_ =	shalt  }
0x77: {  	_ =	shalt  }
0x78: {  	_ =	shalt  }
0x79: {  	_ =	shalt  }
0x7a: {  	_ =	shalt  }
0x7b: {  	_ =	shalt  }
0x7c: {  	_ =	shalt  }
0x7d: {  	_ =	shalt  }
0x7e: {  	_ =	shalt  }
0x7f: {  	_ =	shalt  }
0x80: {  	_ =	shalt  }
0x81: {  	_ =	shalt  }
0x82: {  	_ =	shalt  }
0x83: {  	_ =	shalt  }
0x84: {  	_ =	shalt  }
0x85: {  	_ =	shalt  }
0x86: {  	_ =	shalt  }
0x87: {  	_ =	shalt  }
.Lfunc_end0:
.L_simem_size_0:
called_computation.1_lowered:
.L_overlay_start_0:
0x88: {  	s2 =	sld [smem:$0x3FD9]  }
0x89: {  	s3 =	sld [smem:$0x3FFE];
	_ =	sdelay $0x1  }
0x8a: {  	s1 =	srdreg.scid  }
0x8b: {  	s0 =	sand.u32 $0x1, s1  }
0x8c: {  	s17 =	sshll.u32 s0, $0xA;
	s2 =	sadd.s32 s3, s2  }
0x8d: {  	s2 =	sadd.s32 s2, s17  }
0x8e: {  	[smem:$0x3FC6] =	sst s2  }
0x8f: {  	_ = 	snop  }
0x90: {  	s2 =	sld [smem:$0x3FD0];
	(tm) =	ssettm $0x1  }
0x91: {  	s18 =	sld [smem:$0x3FFB];
	_ =	sdelay $0x3  }
0x92: {  	_ =	strace s18  }
0x93: {  	s3 =	sld [smem:$0x3FFC];
	_ =	sdelay $0x3  }
0x94: {  	_ =	strace s3  }
0x95: {  	s3 =	sld [smem:$0x3FFD];
	_ =	sdelay $0x3  }
0x96: {  	_ =	strace s3  }
0x97: {  	_ =	strace $0x8FFFFFFF  }
0x98: {  	s19 =	sld [smem:$0x3FDB];
	_ =	sdelay $0x1  }
0x99: {  	s4 =	simm.s32 $_scs_section_size  }
0x9a: {  	s5 =	simm.s32 $_size__tile_overlayer_lowered;
	s6 =	simm.s32 $_tile_overlayer_lowered  }
0x9b: {  	s22 =	simm.s32 $0x1BFF;
	s21 =	sshll.u32 s6, $0x1;
	s3 =	sadd.s32 s4, s19  }
0x9c: {  	s7 =	simm.s32 $0x0;
	s20 =	sshll.u32 s5, $0x1;
	s5 =	sadd.s32 s21, s3  }
0x9d: {  	[timem:s7], [sflag:s22] =	dma.local [hbm:s5], s20  }
0x9e: {  	_ =	swait.ge [sflag:s22], s20  }
0x9f: {  	s4 =	ssub.s32 $0x0, s20;
	[sflag:s22] =	ssyncset.done $0x0  }
0xa0: {  	[sflag:s22] =	ssyncadd.s32 s4;
	_ =	sdelay $0x1  }
0xa1: {  	s23 =	simm.s32 $0x1B8B  }
0xa2: {  	_ =	swait.ge [sflag:s23], $0x1  }
0xa3: {  	[sflag:s23] =	ssyncset.done $0x0  }
0xa4: {  	s25 =	simm.s32 $0x1B8E;
	s24 =	sld [smem:$0x3FFE];
	[sflag:s23] =	ssyncadd.s32 $0xFFFFFFFF  }
0xa5: {  	s26 =	simm.s32 $execute0_lowered;
	[smem:$0x3FD2] =	sst s25  }
0xa6: {  	s5 =	sshll.u32 s26, $0x1;
	_ =	strace $0x80000046;
	[dreg:$0x1] =	wrdreg $0xFFFFFFFF  }
0xa7: {  	s28 =	simm.s32 $_size_execute0_lowered;
	s3 =	sadd.s32 s3, s5;
	[dreg:$0x0] =	wrdreg $0x0  }
0xa8: {  	s5 =	sshll.u32 s28, $0x1;
	[dreg:$0x2] =	wrdreg s3  }
0xa9: {  	[dreg:$0x3] =	wrdreg s5  }
0xaa: {  	[dreg:$0x4] =	wrdreg $0xC0  }
0xab: {  	_ =	task [dreg:s7], $0x5FFFF  }
0xac: {  	[dreg:$0x1] =	wrdreg $0xFFFFFFFF  }
0xad: {  	[dreg:$0x0] =	wrdreg $0x60  }
0xae: {  	[dreg:$0x2] =	wrdreg s24  }
0xaf: {  	[dreg:$0x3] =	wrdreg s2  }
0xb0: {  	[dreg:$0x4] =	wrdreg $0x179900  }
0xb1: {  	[dreg:$0x5] =	wrdreg $0x9  }
0xb2: {  	_ =	task.clear_ibuf [dreg:s7], $0x6FFFF;
	_ =	strace $0x90000046  }
0xb3: {  	s29 =	simm.s32 $0x9;
	_ =	strace $0x80000048  }
0xb4: {  	_ =	swait.ge [sflag:s29], $0x1  }
0xb5: {  	[sflag:s29] =	ssyncadd.s32 $0xFFFFFFFF  }
0xb6: {  	_ =	strace $0x90000048  }
0xb7: {  	_ =	sfence  }
0xb8: {  	s30 =	sld [smem:$0x0];
	_ =	sdelay $0x2  }
0xb9: {  	s31 =	sshll.u32 s1, $0xD;
	s1 =	sshrl.u32 s1, $0x2  }
0xba: {  	s3 =	sand.u32 $0x4000, s31;
	s1 =	sadd.s32 s1, s30  }
0xbb: {  	s0 =	sor.u32 s3, s0;
	s1 =	sshll.u32 s1, $0x11  }
0xbc: {  	s0 =	sor.u32 s1, s0  }
0xbd: {  	s0 =	sadd.s32 $0x8F2B, s0  }
0xbe: {  	[sflag:s0] =	ssyncadd.remote.s32 $0x1  }
0xbf: {  	_ =	sfence.sel $0xFFFF  }
0xc0: {  	[dreg:$0x0] =	wrdreg $0xFFFFFFFF;
	(pc) =	sbr.abs _section_cstart, $3  }
0xc1: {  	[dreg:$0x1] =	wrdreg $0xFFFFFFFF  }
0xc2: {  	_ =	task.clear_ibuf [dreg:s7], $0x2FFFF;
	_ =	strace $0x9FFFFFFF  }
0xc3: {  	(tm) =	ssettm $0x7FFFFFFF  }
tec
execute0_lowered:
.L_overlay_start_1:
0x0: {  	(tag) =	ssettag $0x1  }
0x1: {  	s0 =	rddreg [dreg:$0x0]  }
0x2: {  	s3 =	rddreg [dreg:$0x1]  }
0x3: {  	s1 =	rddreg [dreg:$0x2]  }
0x4: {  	s2 =	simm.s32 $0x0;
	s4 =	srdreg.scid;
	s15 =	stileid.u32  }
0x5: {  	s16 =	simm.s32 $0x9;
	s17 =	simm.s32 $0x16890;
	s28 =	simm.s32 $0x1  }
0x6: {  	s29 =	simm.s32 $0x2;
	s30 =	simm.s32 $0x3;
	s31 =	simm.s32 $0x4  }
0x7: {  	[smem:$0x7FF] =	sst s2;
	s10 =	sadd.s32 $0xA00, s0;
	s4 =	sand.u32 $0x1, s4  }
0x8: {  	s0 =	sadd.s32 $0x800, s0;
	s6 =	sshll.u32 s15, $0x1;
	s7 =	smul.u32 $0x4400, s15  }
0x9: {  	s8 =	sor.u32 $0x10, s15;
	s12 =	sor.u32 $0x20, s15;
	s24 =	smul.u32 $0xC8000, s15  }
0xa: {  	p0 =	sgt.u32 s15, $0x1;
	_ =	strace $0x80000047;
	s9 =	smul.u32 $0x4400, s8  }
0xb: {  	[dreg:$0x4] =	wrdreg s0;
	s18 =	ssub.s32 $0x2, s4;
	s13 =	smul.u32 $0x4400, s12  }
0xc: {  	s11 =	sor.u32 s4, s6;
	s4 =	smul.u32 $0x64000, s4;
	s5 =	sshrl.u32 s18, $0x1  }
0xd: {  	s19 =	sshrl.u32 s7, $0x2;
	s7 =	sshll.u32 s8, $0x6;
	s14 =	smul.u32 $0xE000, s11  }
0xe: {  	s11 =	smul.u32 $0x1C00, s11;
	s3 =	sadd.s32 s24, s3;
	s24 =	simm.s32 $0x12810  }
0xf: {  	s0 =	ssub.s32 s18, s5;
	s5 =	sshll.u32 s15, $0x6;
	s6 =	sadd.s32 s19, s1  }
0x10: {  	s20 =	sshrl.u32 s9, $0x2;
	s9 =	sshll.u32 s12, $0x6;
	s22 =	sshrl.u32 s13, $0x2  }
0x11: {  	s18 =	simm.s32 $0x38;
	s15 =	simm.s32 $0x7;
	s19 =	simm.s32 $0x8  }
0x12: {  	[dreg:$0x5] =	wrdreg s6;
	s21 =	sadd.s32 s20, s1;
	s23 =	sshrl.u32 s14, $0x3  }
.Ltmp0:
0x13: {  	v0 =	vlaneseq.u32;
	s25 =	sadd.s32 s22, s1;
	s11 =	sadd.s32 s10, s11;
	(pc) =	sbr.rel .LBB2_1-.Ltmp0, $4  }
0x14: {  	v1 =	vand.u32 $0x3, v0;
	s13 =	smax.u32 s0, $0x1;
	s14 =	sadd.s32 s4, s3;
	s20 =	simm.s32 $0xF010  }
0x15: {  	v0 =	vmul.u32 $0x2, v0;
	v1 =	vmul.u32 $0x2, v1;
	s22 =	simm.s32 $0x10C10;
	s0 =	simm.s32 $0x5;
	[dreg:$0x6] =	wrdreg s21  }
0x16: {  	s3 =	simm.s32 $0x6;
	[dreg:$0x7] =	wrdreg s25;
	s26 =	sadd.s32 s10, s23  }
0x17: {  	v2 =	vor.u32 $0x1, v0;
	v3 =	vor.u32 $0x1, v1;
	s21 =	simm.s32 $0x0;
	s12 =	sadd.s32 $0xE00, s26;
	s26 =	simm.s32 $0x14410  }
.LBB2_16:
0x18: {  	_ =	swait.ge [sflag:s0], $0x1900  }
0x19: {  	[sflag:s0] =	ssyncset.done $0x0  }
0x1a: {  	[sflag:s0] =	ssyncadd.s32 $0xFFFFE700  }
0x1b: {  	_ =	swait.ge [sflag:s3], $0x1900  }
0x1c: {  	[sflag:s3] =	ssyncset.done $0x0  }
0x1d: {  	s21 =	sadd.s32 $0x1, s21;
	[sflag:s3] =	ssyncadd.s32 $0xFFFFE700  }
0x1e: {  	p1 =	sne.s32 s21, s13;
	_ =	swait.ge [sflag:s15], $0x1900  }
.Ltmp1:
0x1f: {  	[sflag:s15] =	ssyncset.done $0x0;
	(pc) =	sbr.rel @!p1 .LBB2_17-.Ltmp1, $4  }
0x20: {  	[sflag:s15] =	ssyncadd.s32 $0xFFFFE700  }
0x21: {  	_ =	swait.ge [sflag:s19], $0x1900  }
0x22: {  	[sflag:s19] =	ssyncset.done $0x0  }
0x23: {  	[sflag:s19] =	ssyncadd.s32 $0xFFFFE700  }
.LBB2_1:
0x24: {  	s4 =	rddreg [dreg:$0x4];
	s6 =	simm.s32 $0x16010  }
0x25: {  	[tilespmem:s6], [sflag:$0x9] =	stream.linear.gather [hbm4b:s4+s2], $0x880, $0x38;
	[tilespmem:$0x19DB0] =	vst v63  }
0x26: {  	_ =	swait.ge [sflag:s16], $0x880  }
0x27: {  	[sflag:s16] =	ssyncset.done $0x0  }
0x28: {  	[sflag:s16] =	ssyncadd.s32 $0xFFFFF780  }
0x29: {  	v7 =	vld [tilespmem:s5+$0x16010];
	_ =	sdelay $0x2  }
0x2a: {  	v6 =	vld [tilespmem:s5+$0x16020]  }
0x2b: {  	s10 =	simm.s32 $0x168D0;
	v5 =	vld [tilespmem:s5+$0x16030]  }
0x2c: {  	s25 =	simm.s32 $0x0;
	s23 =	simm.s32 $0x168D0;
	s4 =	simm.s32 $0x100;
	v4 =	vld [tilespmem:s5+$0x16040];
	[tilespmem:s10+$0xFFFFFFC0] =	vst v7  }
.LBB2_2:
0x2d: {  	p1 =	sne.s32 s4, $0x2100;
	v8 =	vld [tilespmem:s25+$0x16010];
	_ =	sdelay $0x3  }
0x2e: {  	[tilespmem:s10+$0xFFFFFFD0] =	vst v6  }
0x2f: {  	[tilespmem:s10+$0x0] =	vst v8  }
0x30: {  	v8 =	vld [tilespmem:s25+$0x16020];
	_ =	sdelay $0x3  }
0x31: {  	[tilespmem:s10+$0xFFFFFFE0] =	vst v5  }
0x32: {  	[tilespmem:s10+$0x10] =	vst v8  }
0x33: {  	v8 =	vld [tilespmem:s25+$0x16030];
	_ =	sdelay $0x3  }
0x34: {  	[tilespmem:s10+$0xFFFFFFF0] =	vst v4  }
0x35: {  	[tilespmem:s10+$0x20] =	vst v8  }
0x36: {  	v8 =	vld [tilespmem:s25+$0x16040]  }
.Ltmp2:
0x37: {  	(pc) =	sbr.rel @p1 .LBB2_2-.Ltmp2, $4  }
0x38: {  	_ = 	snop  }
0x39: {  	s10 =	sadd.s32 $0x80, s10  }
0x3a: {  	[tilespmem:s10+$0xFFFFFFC0] =	vst v7  }
0x3b: {  	s25 =	sshra.s32 s4, $0x2;
	s4 =	sadd.s32 $0x100, s4;
	[tilespmem:s23+$0x30] =	vst v8;
	s23 =	smov.u32 s10  }
0x3c: {  	v7 =	vld [tilespmem:s25+$0x16010];
	_ =	sdelay $0x3  }
0x3d: {  	[tilespmem:s10+$0xFFFFFFD0] =	vst v6  }
0x3e: {  	[tilespmem:s10+$0x0] =	vst v7  }
0x3f: {  	v6 =	vld [tilespmem:s25+$0x16020];
	_ =	sdelay $0x3  }
0x40: {  	[tilespmem:s10+$0xFFFFFFE0] =	vst v5  }
0x41: {  	[tilespmem:s10+$0x10] =	vst v6  }
0x42: {  	v5 =	vld [tilespmem:s25+$0x16030];
	_ =	sdelay $0x3  }
0x43: {  	[tilespmem:s10+$0xFFFFFFF0] =	vst v4  }
0x44: {  	[tilespmem:s10+$0x20] =	vst v5  }
0x45: {  	v4 =	vld [tilespmem:s25+$0x16040];
	_ =	sdelay $0x4  }
0x46: {  	s4 =	rddreg [dreg:$0x5];
	[tilespmem:s23+$0x30] =	vst v4  }
0x47: {  	[spmem:s4] =	stream.linear.scatter [tilespmem:s17], [sflag:$0x9], $0x1100, $0x38;
	[tilespmem:$0x19DB0] =	vst v63  }
0x48: {  	_ =	swait.ge [sflag:s16], $0x1100  }
0x49: {  	[sflag:s16] =	ssyncset.done $0x0  }
0x4a: {  	[sflag:s16] =	ssyncadd.s32 $0xFFFFEF00  }
0x4b: {  	v7 =	vld [tilespmem:s7+$0x16010];
	_ =	sdelay $0x2  }
0x4c: {  	v6 =	vld [tilespmem:s7+$0x16020]  }
0x4d: {  	s10 =	simm.s32 $0x168D0;
	v5 =	vld [tilespmem:s7+$0x16030]  }
0x4e: {  	s25 =	simm.s32 $0x0;
	s23 =	simm.s32 $0x168D0;
	s4 =	simm.s32 $0x100;
	v4 =	vld [tilespmem:s7+$0x16040];
	[tilespmem:s10+$0xFFFFFFC0] =	vst v7  }
.LBB2_4:
0x4f: {  	p1 =	sne.s32 s4, $0x2100;
	v8 =	vld [tilespmem:s25+$0x16010];
	_ =	sdelay $0x3  }
0x50: {  	[tilespmem:s10+$0xFFFFFFD0] =	vst v6  }
0x51: {  	[tilespmem:s10+$0x0] =	vst v8  }
0x52: {  	v8 =	vld [tilespmem:s25+$0x16020];
	_ =	sdelay $0x3  }
0x53: {  	[tilespmem:s10+$0xFFFFFFE0] =	vst v5  }
0x54: {  	[tilespmem:s10+$0x10] =	vst v8  }
0x55: {  	v8 =	vld [tilespmem:s25+$0x16030];
	_ =	sdelay $0x3  }
0x56: {  	[tilespmem:s10+$0xFFFFFFF0] =	vst v4  }
0x57: {  	[tilespmem:s10+$0x20] =	vst v8  }
0x58: {  	v8 =	vld [tilespmem:s25+$0x16040]  }
.Ltmp3:
0x59: {  	(pc) =	sbr.rel @p1 .LBB2_4-.Ltmp3, $4  }
0x5a: {  	_ = 	snop  }
0x5b: {  	s10 =	sadd.s32 $0x80, s10  }
0x5c: {  	[tilespmem:s10+$0xFFFFFFC0] =	vst v7  }
0x5d: {  	s25 =	sshra.s32 s4, $0x2;
	s4 =	sadd.s32 $0x100, s4;
	[tilespmem:s23+$0x30] =	vst v8;
	s23 =	smov.u32 s10  }
0x5e: {  	v7 =	vld [tilespmem:s25+$0x16010];
	_ =	sdelay $0x3  }
0x5f: {  	[tilespmem:s10+$0xFFFFFFD0] =	vst v6  }
0x60: {  	[tilespmem:s10+$0x0] =	vst v7  }
0x61: {  	v6 =	vld [tilespmem:s25+$0x16020];
	_ =	sdelay $0x3  }
0x62: {  	[tilespmem:s10+$0xFFFFFFE0] =	vst v5  }
0x63: {  	[tilespmem:s10+$0x10] =	vst v6  }
0x64: {  	v5 =	vld [tilespmem:s25+$0x16030];
	_ =	sdelay $0x3  }
0x65: {  	[tilespmem:s10+$0xFFFFFFF0] =	vst v4  }
0x66: {  	[tilespmem:s10+$0x20] =	vst v5  }
0x67: {  	v4 =	vld [tilespmem:s25+$0x16040];
	_ =	sdelay $0x4  }
.Ltmp4:
0x68: {  	s4 =	rddreg [dreg:$0x6];
	[tilespmem:s23+$0x30] =	vst v4;
	(pc) =	sbr.rel @p0 .LBB2_9-.Ltmp4, $4  }
0x69: {  	[spmem:s4] =	stream.linear.scatter [tilespmem:s17], [sflag:$0x9], $0x1100, $0x38;
	[tilespmem:$0x19DB0] =	vst v63  }
0x6a: {  	_ =	swait.ge [sflag:s16], $0x1100  }
0x6b: {  	[sflag:s16] =	ssyncset.done $0x0  }
0x6c: {  	[sflag:s16] =	ssyncadd.s32 $0xFFFFEF00  }
0x6d: {  	v7 =	vld [tilespmem:s9+$0x16010];
	_ =	sdelay $0x2  }
0x6e: {  	v6 =	vld [tilespmem:s9+$0x16020]  }
0x6f: {  	v5 =	vld [tilespmem:s9+$0x16030];
	s10 =	simm.s32 $0x168D0  }
0x70: {  	v4 =	vld [tilespmem:s9+$0x16040];
	s25 =	simm.s32 $0x0;
	s4 =	simm.s32 $0x100;
	s23 =	simm.s32 $0x168D0;
	[tilespmem:s10+$0xFFFFFFC0] =	vst v7  }
.LBB2_7:
0x71: {  	p1 =	sne.s32 s4, $0x2100;
	v8 =	vld [tilespmem:s25+$0x16010];
	_ =	sdelay $0x3  }
0x72: {  	[tilespmem:s10+$0xFFFFFFD0] =	vst v6  }
0x73: {  	[tilespmem:s10+$0x0] =	vst v8  }
0x74: {  	v8 =	vld [tilespmem:s25+$0x16020];
	_ =	sdelay $0x3  }
0x75: {  	[tilespmem:s10+$0xFFFFFFE0] =	vst v5  }
0x76: {  	[tilespmem:s10+$0x10] =	vst v8  }
0x77: {  	v8 =	vld [tilespmem:s25+$0x16030];
	_ =	sdelay $0x3  }
0x78: {  	[tilespmem:s10+$0xFFFFFFF0] =	vst v4  }
0x79: {  	[tilespmem:s10+$0x20] =	vst v8  }
0x7a: {  	v8 =	vld [tilespmem:s25+$0x16040]  }
.Ltmp5:
0x7b: {  	(pc) =	sbr.rel @p1 .LBB2_7-.Ltmp5, $4  }
0x7c: {  	_ = 	snop  }
0x7d: {  	s10 =	sadd.s32 $0x80, s10  }
0x7e: {  	[tilespmem:s10+$0xFFFFFFC0] =	vst v7  }
0x7f: {  	s25 =	sshra.s32 s4, $0x2;
	s4 =	sadd.s32 $0x100, s4;
	[tilespmem:s23+$0x30] =	vst v8;
	s23 =	smov.u32 s10  }
0x80: {  	v7 =	vld [tilespmem:s25+$0x16010];
	_ =	sdelay $0x3  }
0x81: {  	[tilespmem:s10+$0xFFFFFFD0] =	vst v6  }
0x82: {  	[tilespmem:s10+$0x0] =	vst v7  }
0x83: {  	v6 =	vld [tilespmem:s25+$0x16020];
	_ =	sdelay $0x3  }
0x84: {  	[tilespmem:s10+$0xFFFFFFE0] =	vst v5  }
0x85: {  	[tilespmem:s10+$0x10] =	vst v6  }
0x86: {  	v5 =	vld [tilespmem:s25+$0x16030];
	_ =	sdelay $0x3  }
0x87: {  	[tilespmem:s10+$0xFFFFFFF0] =	vst v4  }
0x88: {  	[tilespmem:s10+$0x20] =	vst v5  }
0x89: {  	v4 =	vld [tilespmem:s25+$0x16040];
	_ =	sdelay $0x4  }
0x8a: {  	s4 =	rddreg [dreg:$0x7];
	[tilespmem:s23+$0x30] =	vst v4  }
0x8b: {  	[spmem:s4] =	stream.linear.scatter [tilespmem:s17], [sflag:$0x9], $0x1100, $0x38;
	[tilespmem:$0x19DB0] =	vst v63  }
0x8c: {  	_ =	swait.ge [sflag:s16], $0x1100  }
0x8d: {  	[sflag:s16] =	ssyncset.done $0x0  }
0x8e: {  	[sflag:s16] =	ssyncadd.s32 $0xFFFFEF00  }
.LBB2_9:
0x8f: {  	s4 =	simm.s32 $0x0  }
0x90: {  	v4 =	vadd.s32 s4, v0  }
0x91: {  	v4 =	vand.u32 $0xFFF8, v4  }
0x92: {  	v5 =	vadd.s32 s4, v2;
	v4 =	vor.u32 v1, v4  }
0x93: {  	[tilespmem:s2], [sflag:$0x9] =	stream.linear.gather [hbm4b:s11+s2], $0x7000, $0x38;
	v5 =	vand.u32 $0xFFF8, v5;
	[tilespmem:$0x19DB0] =	vst v63  }
0x94: {  	_ =	swait.ge [sflag:s16], $0x7000;
	v5 =	vor.u32 v3, v5  }
0x95: {  	[sflag:s16] =	ssyncset.done $0x0  }
0x96: {  	[sflag:s16] =	ssyncadd.s32 $0xFFFF9000  }
0x97: {  	v4 =	vld.idx.msk [tilespmem:v4+s2+$0x0], $0xffff  }
0x98: {  	s8 =	simm.s32 $0x20  }
0x99: {  	v6 =	vadd.s32 s8, v0;
	v5 =	vld.idx.msk [tilespmem:v5+s2+$0x0], $0xffff  }
0x9a: {  	v6 =	vand.u32 $0x1FFF8, v6  }
0x9b: {  	v7 =	vadd.s32 s8, v2;
	v6 =	vor.u32 v1, v6  }
0x9c: {  	v7 =	vand.u32 $0x1FFF8, v7;
	v4 =	vmul.u32 $0x22, v4  }
0x9d: {  	v7 =	vor.u32 v3, v7  }
0x9e: {  	s23 =	simm.s32 $0x7030;
	v4 =	vadd.s32 v5, v4  }
0x9f: {  	[tilespmem:s23+$0xFFFFFFE0] =	vst v4  }
0xa0: {  	v4 =	vld.idx.msk [tilespmem:v6+s2+$0x0], $0xffff  }
0xa1: {  	s10 =	simm.s32 $0x40  }
0xa2: {  	v5 =	vld.idx.msk [tilespmem:v7+s2+$0x0], $0xffff;
	v6 =	vadd.s32 s10, v0  }
0xa3: {  	v6 =	vand.u32 $0x1FFF8, v6  }
0xa4: {  	v7 =	vadd.s32 s10, v2;
	v6 =	vor.u32 v1, v6  }
0xa5: {  	v7 =	vand.u32 $0x1FFF8, v7;
	v4 =	vmul.u32 $0x22, v4  }
0xa6: {  	v7 =	vor.u32 v3, v7  }
0xa7: {  	v4 =	vadd.s32 v5, v4  }
0xa8: {  	[tilespmem:s23+$0xFFFFFFF0] =	vst v4  }
0xa9: {  	v4 =	vld.idx.msk [tilespmem:v6+s2+$0x0], $0xffff  }
0xaa: {  	s25 =	simm.s32 $0x60  }
0xab: {  	v5 =	vld.idx.msk [tilespmem:v7+s2+$0x0], $0xffff;
	v6 =	vadd.s32 s25, v0  }
0xac: {  	v7 =	vadd.s32 s25, v2;
	v6 =	vand.u32 $0x1FFF8, v6  }
0xad: {  	v7 =	vand.u32 $0x1FFF8, v7;
	v6 =	vor.u32 v1, v6  }
0xae: {  	v7 =	vor.u32 v3, v7;
	v4 =	vmul.u32 $0x22, v4;
	_ =	sdelay $0x1  }
0xaf: {  	v4 =	vadd.s32 v5, v4  }
0xb0: {  	[tilespmem:s23+$0x0] =	vst v4  }
0xb1: {  	v5 =	vld.idx.msk [tilespmem:v6+s2+$0x0], $0xffff  }
0xb2: {  	s4 =	simm.s32 $0x70;
	s10 =	simm.s32 $0x140;
	s25 =	simm.s32 $0xD0;
	v4 =	vld.idx.msk [tilespmem:v7+s2+$0x0], $0xffff  }
.LBB2_10:
0xb3: {  	p1 =	sne.s32 s10, $0x6FF0;
	v6 =	vadd.s32 s4, v0  }
0xb4: {  	v7 =	vadd.s32 s4, v2;
	v6 =	vand.u32 $0xFFF8, v6  }
0xb5: {  	v7 =	vand.u32 $0xFFF8, v7;
	v6 =	vor.u32 v1, v6  }
0xb6: {  	v7 =	vor.u32 v3, v7;
	v5 =	vmul.u32 $0x22, v5;
	_ =	sdelay $0x1  }
0xb7: {  	v4 =	vadd.s32 v4, v5  }
0xb8: {  	[tilespmem:s23+$0x10] =	vst v4  }
0xb9: {  	v4 =	vld.idx.msk [tilespmem:v6+s2+$0x0], $0xffff  }
0xba: {  	v5 =	vld.idx.msk [tilespmem:v7+s2+$0x0], $0xffff  }
0xbb: {  	s4 =	sadd.s32 $0xFFFFFFC0, s25  }
0xbc: {  	v6 =	vadd.s32 s4, v0  }
0xbd: {  	v6 =	vand.u32 $0x1FFF8, v6  }
0xbe: {  	v7 =	vadd.s32 s4, v2;
	v6 =	vor.u32 v1, v6  }
0xbf: {  	v7 =	vand.u32 $0x1FFF8, v7;
	v4 =	vmul.u32 $0x22, v4  }
0xc0: {  	v7 =	vor.u32 v3, v7  }
0xc1: {  	s23 =	sadd.s32 $0x40, s23;
	v4 =	vadd.s32 v5, v4  }
0xc2: {  	[tilespmem:s23+$0xFFFFFFE0] =	vst v4  }
0xc3: {  	v4 =	vld.idx.msk [tilespmem:v6+s2+$0x0], $0xffff;
	_ =	sdelay $0x1  }
0xc4: {  	s4 =	sadd.s32 $0xFFFFFFE0, s25;
	v5 =	vld.idx.msk [tilespmem:v7+s2+$0x0], $0xffff  }
0xc5: {  	v6 =	vadd.s32 s4, v0  }
0xc6: {  	v6 =	vand.u32 $0x1FFF8, v6  }
0xc7: {  	v6 =	vor.u32 v1, v6;
	v7 =	vadd.s32 s4, v2  }
0xc8: {  	v7 =	vand.u32 $0x1FFF8, v7;
	v4 =	vmul.u32 $0x22, v4  }
0xc9: {  	v7 =	vor.u32 v3, v7  }
0xca: {  	v4 =	vadd.s32 v5, v4  }
0xcb: {  	[tilespmem:s23+$0xFFFFFFF0] =	vst v4  }
0xcc: {  	v4 =	vld.idx.msk [tilespmem:v6+s2+$0x0], $0xffff;
	_ =	sdelay $0x1  }
0xcd: {  	v5 =	vld.idx.msk [tilespmem:v7+s2+$0x0], $0xffff  }
0xce: {  	v6 =	vadd.s32 s25, v0  }
0xcf: {  	v6 =	vand.u32 $0x1FFF8, v6;
	v7 =	vadd.s32 s25, v2;
	s25 =	smov.u32 s10  }
0xd0: {  	v6 =	vor.u32 v1, v6;
	v7 =	vand.u32 $0x1FFF8, v7  }
0xd1: {  	v7 =	vor.u32 v3, v7;
	v4 =	vmul.u32 $0x22, v4;
	_ =	sdelay $0x1  }
.Ltmp6:
0xd2: {  	v4 =	vadd.s32 v5, v4;
	(pc) =	sbr.rel @p1 .LBB2_10-.Ltmp6, $4  }
0xd3: {  	[tilespmem:s23+$0x0] =	vst v4  }
0xd4: {  	v5 =	vld.idx.msk [tilespmem:v6+s2+$0x0], $0xffff  }
0xd5: {  	v4 =	vld.idx.msk [tilespmem:v7+s2+$0x0], $0xffff  }
0xd6: {  	s10 =	sadd.s32 $0x70, s10;
	s4 =	sadd.s32 $0xFFFFFFA0, s25  }
0xd7: {  	v6 =	vadd.s32 s4, v0  }
0xd8: {  	v6 =	vand.u32 $0xFFF8, v6  }
0xd9: {  	v7 =	vadd.s32 s4, v2;
	v6 =	vor.u32 v1, v6  }
0xda: {  	v7 =	vand.u32 $0xFFF8, v7;
	v5 =	vmul.u32 $0x22, v5  }
0xdb: {  	v7 =	vor.u32 v3, v7  }
0xdc: {  	v4 =	vadd.s32 v4, v5  }
0xdd: {  	[tilespmem:s23+$0x10] =	vst v4  }
0xde: {  	v4 =	vld.idx.msk [tilespmem:v6+s2+$0x0], $0xffff  }
0xdf: {  	s10 =	sadd.s32 $0xFFFFFFC0, s25  }
0xe0: {  	v5 =	vld.idx.msk [tilespmem:v7+s2+$0x0], $0xffff;
	v6 =	vadd.s32 s10, v0  }
0xe1: {  	v6 =	vand.u32 $0x1FFF8, v6  }
0xe2: {  	v7 =	vadd.s32 s10, v2;
	v6 =	vor.u32 v1, v6  }
0xe3: {  	v7 =	vand.u32 $0x1FFF8, v7;
	v4 =	vmul.u32 $0x22, v4  }
0xe4: {  	v7 =	vor.u32 v3, v7  }
0xe5: {  	s23 =	sadd.s32 $0x40, s23;
	v4 =	vadd.s32 v5, v4  }
0xe6: {  	[tilespmem:s23+$0xFFFFFFE0] =	vst v4  }
0xe7: {  	v4 =	vld.idx.msk [tilespmem:v6+s2+$0x0], $0xffff  }
0xe8: {  	s10 =	sadd.s32 $0xFFFFFFE0, s25  }
0xe9: {  	v5 =	vld.idx.msk [tilespmem:v7+s2+$0x0], $0xffff;
	v6 =	vadd.s32 s10, v0  }
0xea: {  	v6 =	vand.u32 $0x1FFF8, v6  }
0xeb: {  	v7 =	vadd.s32 s10, v2;
	v6 =	vor.u32 v1, v6  }
0xec: {  	v7 =	vand.u32 $0x1FFF8, v7;
	v4 =	vmul.u32 $0x22, v4  }
0xed: {  	v7 =	vor.u32 v3, v7  }
0xee: {  	v4 =	vadd.s32 v5, v4  }
0xef: {  	[tilespmem:s23+$0xFFFFFFF0] =	vst v4  }
0xf0: {  	v4 =	vld.idx.msk [tilespmem:v6+s2+$0x0], $0xffff;
	_ =	sdelay $0x1  }
0xf1: {  	v5 =	vld.idx.msk [tilespmem:v7+s2+$0x0], $0xffff;
	v6 =	vadd.s32 s25, v0  }
0xf2: {  	v6 =	vand.u32 $0x1FFF8, v6  }
0xf3: {  	v7 =	vadd.s32 s25, v2;
	v6 =	vor.u32 v1, v6  }
0xf4: {  	v7 =	vand.u32 $0x1FFF8, v7;
	v4 =	vmul.u32 $0x22, v4  }
0xf5: {  	v7 =	vor.u32 v3, v7  }
0xf6: {  	v4 =	vadd.s32 v5, v4  }
0xf7: {  	[tilespmem:s23+$0x0] =	vst v4  }
0xf8: {  	v4 =	vld.idx.msk [tilespmem:v6+s2+$0x0], $0xffff;
	_ =	sdelay $0x1  }
0xf9: {  	v5 =	vld.idx.msk [tilespmem:v7+s2+$0x0], $0xffff;
	_ =	sdelay $0x2  }
0xfa: {  	s6 =	simm.s32 $0x0;
	v4 =	vmul.u32 $0x22, v4  }
0xfb: {  	v6 =	vadd.s32 s6, v0  }
0xfc: {  	v4 =	vadd.s32 v5, v4;
	v5 =	vand.u32 $0xFFF8, v6  }
0xfd: {  	[tilespmem:s23+$0x10] =	vst v4;
	v4 =	vadd.s32 s6, v2;
	v5 =	vor.u32 v1, v5  }
0xfe: {  	[tilespmem:s2], [sflag:$0x9] =	stream.linear.gather [hbm4b:s12+s2], $0x7000, $0x38;
	v4 =	vand.u32 $0xFFF8, v4;
	[tilespmem:$0x19DB0] =	vst v63  }
0xff: {  	_ =	swait.ge [sflag:s16], $0x7000;
	v4 =	vor.u32 v3, v4  }
0x100: {  	[sflag:s16] =	ssyncset.done $0x0  }
0x101: {  	[sflag:s16] =	ssyncadd.s32 $0xFFFF9000  }
0x102: {  	v5 =	vld.idx.msk [tilespmem:v5+s2+$0x0], $0xffff  }
0x103: {  	s8 =	simm.s32 $0x20  }
0x104: {  	v6 =	vadd.s32 s8, v0;
	v4 =	vld.idx.msk [tilespmem:v4+s2+$0x0], $0xffff  }
0x105: {  	v6 =	vand.u32 $0x1FFF8, v6  }
0x106: {  	v7 =	vadd.s32 s8, v2;
	v6 =	vor.u32 v1, v6  }
0x107: {  	v7 =	vand.u32 $0x1FFF8, v7;
	v5 =	vmul.u32 $0x22, v5  }
0x108: {  	v7 =	vor.u32 v3, v7  }
0x109: {  	s23 =	simm.s32 $0xB010;
	v4 =	vadd.s32 v4, v5  }
0x10a: {  	[tilespmem:s23+$0x0] =	vst v4  }
0x10b: {  	v4 =	vld.idx.msk [tilespmem:v6+s2+$0x0], $0xffff  }
0x10c: {  	s10 =	simm.s32 $0x40  }
0x10d: {  	v5 =	vld.idx.msk [tilespmem:v7+s2+$0x0], $0xffff;
	v6 =	vadd.s32 s10, v0  }
0x10e: {  	v6 =	vand.u32 $0x1FFF8, v6  }
0x10f: {  	v7 =	vadd.s32 s10, v2;
	v6 =	vor.u32 v1, v6  }
0x110: {  	v7 =	vand.u32 $0x1FFF8, v7;
	v4 =	vmul.u32 $0x22, v4  }
0x111: {  	v7 =	vor.u32 v3, v7  }
0x112: {  	v4 =	vadd.s32 v5, v4  }
0x113: {  	[tilespmem:s23+$0x10] =	vst v4  }
0x114: {  	v4 =	vld.idx.msk [tilespmem:v6+s2+$0x0], $0xffff  }
0x115: {  	s25 =	simm.s32 $0x60  }
0x116: {  	v5 =	vld.idx.msk [tilespmem:v7+s2+$0x0], $0xffff;
	v6 =	vadd.s32 s25, v0  }
0x117: {  	v7 =	vadd.s32 s25, v2;
	v6 =	vand.u32 $0x1FFF8, v6  }
0x118: {  	v7 =	vand.u32 $0x1FFF8, v7;
	v6 =	vor.u32 v1, v6  }
0x119: {  	v7 =	vor.u32 v3, v7;
	v4 =	vmul.u32 $0x22, v4;
	_ =	sdelay $0x1  }
0x11a: {  	v4 =	vadd.s32 v5, v4  }
0x11b: {  	[tilespmem:s23+$0x20] =	vst v4  }
0x11c: {  	v5 =	vld.idx.msk [tilespmem:v6+s2+$0x0], $0xffff  }
0x11d: {  	s4 =	simm.s32 $0x70;
	s10 =	simm.s32 $0x140;
	s25 =	simm.s32 $0xD0;
	v4 =	vld.idx.msk [tilespmem:v7+s2+$0x0], $0xffff  }
.LBB2_12:
0x11e: {  	p1 =	sne.s32 s10, $0x6FF0;
	v6 =	vadd.s32 s4, v0  }
0x11f: {  	v7 =	vadd.s32 s4, v2;
	v6 =	vand.u32 $0xFFF8, v6  }
0x120: {  	v7 =	vand.u32 $0xFFF8, v7;
	v6 =	vor.u32 v1, v6  }
0x121: {  	v7 =	vor.u32 v3, v7;
	v5 =	vmul.u32 $0x22, v5;
	_ =	sdelay $0x1  }
0x122: {  	v4 =	vadd.s32 v4, v5  }
0x123: {  	[tilespmem:s23+$0x30] =	vst v4  }
0x124: {  	v4 =	vld.idx.msk [tilespmem:v6+s2+$0x0], $0xffff  }
0x125: {  	v5 =	vld.idx.msk [tilespmem:v7+s2+$0x0], $0xffff  }
0x126: {  	s4 =	sadd.s32 $0xFFFFFFC0, s25  }
0x127: {  	v6 =	vadd.s32 s4, v0  }
0x128: {  	v6 =	vand.u32 $0x1FFF8, v6  }
0x129: {  	v7 =	vadd.s32 s4, v2;
	v6 =	vor.u32 v1, v6  }
0x12a: {  	v7 =	vand.u32 $0x1FFF8, v7;
	v4 =	vmul.u32 $0x22, v4  }
0x12b: {  	v7 =	vor.u32 v3, v7  }
0x12c: {  	s23 =	sadd.s32 $0x40, s23;
	v4 =	vadd.s32 v5, v4  }
0x12d: {  	[tilespmem:s23+$0x0] =	vst v4  }
0x12e: {  	v4 =	vld.idx.msk [tilespmem:v6+s2+$0x0], $0xffff;
	_ =	sdelay $0x1  }
0x12f: {  	s4 =	sadd.s32 $0xFFFFFFE0, s25;
	v5 =	vld.idx.msk [tilespmem:v7+s2+$0x0], $0xffff  }
0x130: {  	v6 =	vadd.s32 s4, v0  }
0x131: {  	v6 =	vand.u32 $0x1FFF8, v6  }
0x132: {  	v6 =	vor.u32 v1, v6;
	v7 =	vadd.s32 s4, v2  }
0x133: {  	v7 =	vand.u32 $0x1FFF8, v7;
	v4 =	vmul.u32 $0x22, v4  }
0x134: {  	v7 =	vor.u32 v3, v7  }
0x135: {  	v4 =	vadd.s32 v5, v4  }
0x136: {  	[tilespmem:s23+$0x10] =	vst v4  }
0x137: {  	v4 =	vld.idx.msk [tilespmem:v6+s2+$0x0], $0xffff;
	_ =	sdelay $0x1  }
0x138: {  	v5 =	vld.idx.msk [tilespmem:v7+s2+$0x0], $0xffff  }
0x139: {  	v6 =	vadd.s32 s25, v0  }
0x13a: {  	v6 =	vand.u32 $0x1FFF8, v6;
	v7 =	vadd.s32 s25, v2;
	s25 =	smov.u32 s10  }
0x13b: {  	v6 =	vor.u32 v1, v6;
	v7 =	vand.u32 $0x1FFF8, v7  }
0x13c: {  	v7 =	vor.u32 v3, v7;
	v4 =	vmul.u32 $0x22, v4;
	_ =	sdelay $0x1  }
.Ltmp7:
0x13d: {  	v4 =	vadd.s32 v5, v4;
	(pc) =	sbr.rel @p1 .LBB2_12-.Ltmp7, $4  }
0x13e: {  	[tilespmem:s23+$0x20] =	vst v4  }
0x13f: {  	v5 =	vld.idx.msk [tilespmem:v6+s2+$0x0], $0xffff  }
0x140: {  	v4 =	vld.idx.msk [tilespmem:v7+s2+$0x0], $0xffff  }
0x141: {  	s10 =	sadd.s32 $0x70, s10;
	s4 =	sadd.s32 $0xFFFFFFA0, s25  }
0x142: {  	v6 =	vadd.s32 s4, v0  }
0x143: {  	v6 =	vand.u32 $0xFFF8, v6  }
0x144: {  	v7 =	vadd.s32 s4, v2;
	v6 =	vor.u32 v1, v6  }
0x145: {  	v7 =	vand.u32 $0xFFF8, v7;
	v5 =	vmul.u32 $0x22, v5  }
0x146: {  	v7 =	vor.u32 v3, v7  }
0x147: {  	v4 =	vadd.s32 v4, v5  }
0x148: {  	[tilespmem:s23+$0x30] =	vst v4  }
0x149: {  	v4 =	vld.idx.msk [tilespmem:v6+s2+$0x0], $0xffff  }
0x14a: {  	s10 =	sadd.s32 $0xFFFFFFC0, s25  }
0x14b: {  	v58 =	vadd.s32 s10, v0;
	v5 =	vld.idx.msk [tilespmem:v7+s2+$0x0], $0xffff  }
0x14c: {  	v6 =	vand.u32 $0x1FFF8, v58  }
0x14d: {  	v59 =	vadd.s32 s10, v2;
	v6 =	vor.u32 v1, v6  }
0x14e: {  	v7 =	vand.u32 $0x1FFF8, v59;
	v4 =	vmul.u32 $0x22, v4  }
0x14f: {  	v7 =	vor.u32 v3, v7  }
0x150: {  	s6 =	sadd.s32 $0x40, s23;
	v4 =	vadd.s32 v5, v4  }
0x151: {  	[tilespmem:s6+$0x0] =	vst v4  }
0x152: {  	v4 =	vld.idx.msk [tilespmem:v6+s2+$0x0], $0xffff  }
0x153: {  	s10 =	sadd.s32 $0xFFFFFFE0, s25  }
0x154: {  	v60 =	vadd.s32 s10, v0;
	v5 =	vld.idx.msk [tilespmem:v7+s2+$0x0], $0xffff  }
0x155: {  	v6 =	vand.u32 $0x1FFF8, v60  }
0x156: {  	v61 =	vadd.s32 s10, v2;
	v6 =	vor.u32 v1, v6  }
0x157: {  	v7 =	vand.u32 $0x1FFF8, v61;
	v4 =	vmul.u32 $0x22, v4  }
0x158: {  	v7 =	vor.u32 v3, v7  }
0x159: {  	v4 =	vadd.s32 v5, v4  }
0x15a: {  	[tilespmem:s6+$0x10] =	vst v4  }
0x15b: {  	v4 =	vld.idx.msk [tilespmem:v6+s2+$0x0], $0xffff;
	_ =	sdelay $0x1  }
0x15c: {  	v62 =	vadd.s32 s25, v0;
	v5 =	vld.idx.msk [tilespmem:v7+s2+$0x0], $0xffff  }
0x15d: {  	v6 =	vand.u32 $0x1FFF8, v62  }
0x15e: {  	v63 =	vadd.s32 s25, v2;
	v6 =	vor.u32 v1, v6  }
0x15f: {  	v7 =	vand.u32 $0x1FFF8, v63;
	v4 =	vmul.u32 $0x22, v4  }
0x160: {  	v7 =	vor.u32 v3, v7  }
0x161: {  	v4 =	vadd.s32 v5, v4  }
0x162: {  	[tilespmem:s6+$0x20] =	vst v4  }
0x163: {  	v4 =	vld.idx.msk [tilespmem:v6+s2+$0x0], $0xffff;
	_ =	sdelay $0x1  }
0x164: {  	v5 =	vld.idx.msk [tilespmem:v7+s2+$0x0], $0xffff;
	_ =	sdelay $0x2  }
0x165: {  	v4 =	vmul.u32 $0x22, v4;
	_ =	sdelay $0x1  }
0x166: {  	v4 =	vadd.s32 v5, v4  }
0x167: {  	[tilespmem:s6+$0x30] =	vst v4  }
0x168: {  	s8 =	simm.s32 $0x7010;
	[bflag:$0x0] =	sbarrier.arrive $0xFFFF  }
0x169: {  	[tilespmem:s20], [sflag:$0x1] =	stream.indirect.gather [spmem:s1], $0x80, s8, s18, $0xb8;
	[tilespmem:$0x19DB0] =	vst v63  }
0x16a: {  	s10 =	simm.s32 $0x7050  }
0x16b: {  	[tilespmem:s22], [sflag:$0x2] =	stream.indirect.gather [spmem:s1], $0x80, s10, s18, $0xb8;
	[tilespmem:$0x19DB0] =	vst v63  }
0x16c: {  	s23 =	simm.s32 $0x7090  }
0x16d: {  	[tilespmem:s24], [sflag:$0x3] =	stream.indirect.gather [spmem:s1], $0x80, s23, s18, $0xb8;
	[tilespmem:$0x19DB0] =	vst v63  }
0x16e: {  	s25 =	simm.s32 $0x70D0;
	s10 =	simm.s32 $0x0;
	s23 =	smov.u32 s14  }
0x16f: {  	[tilespmem:s26], [sflag:$0x4] =	stream.indirect.gather [spmem:s1], $0x80, s25, s18, $0xb8;
	[tilespmem:$0x19DB0] =	vst v63  }
.LBB2_14:
0x170: {  	_ =	swait.ge [sflag:s28], $0x1C00  }
0x171: {  	p1 =	seq.s32 s10, $0x1FC00;
	[sflag:s28] =	ssyncset.done $0x0  }
0x172: {  	s4 =	simm.s32 @!p1 $0x5;
	[sflag:s28] =	ssyncadd.s32 $0xFFFFE400  }
0x173: {  	[hbm4b:s23+s2] =	stream.linear.scatter [tilespmem:s20], [sflag:$0x5], $0x1900, $0x38;
	[tilespmem:$0x19DB0] =	vst v63  }
0x174: {  	_ =	swait.ge @!p1 [sflag:s4], $0x1900  }
0x175: {  	[sflag:s4] =	ssyncset.done @!p1 $0x0  }
0x176: {  	[sflag:s4] =	ssyncadd.s32 @!p1 $0xFFFFE700;
	s4 =	sshra.s32 @!p1 s10, $0x2  }
0x177: {  	s6 =	simm.s32 @!p1 $0x38;
	s8 =	simm.s32 @!p1 $0xF010;
	s25 =	sadd.s32 @!p1 $0x7110, s4  }
0x178: {  	[tilespmem:s8], [sflag:$0x1] =	stream.indirect.gather @!p1 [spmem:s1], $0x80, s25, s6, $0xb8;
	[tilespmem:$0x19DB0] =	vst v63  }
0x179: {  	_ =	swait.ge [sflag:s29], $0x1C00  }
0x17a: {  	[sflag:s29] =	ssyncset.done $0x0  }
0x17b: {  	s25 =	sadd.s32 $0x320, s23;
	s8 =	simm.s32 @!p1 $0x6;
	[sflag:s29] =	ssyncadd.s32 $0xFFFFE400  }
0x17c: {  	[hbm4b:s25+s2] =	stream.linear.scatter [tilespmem:s22], [sflag:$0x6], $0x1900, $0x38;
	[tilespmem:$0x19DB0] =	vst v63  }
0x17d: {  	_ =	swait.ge @!p1 [sflag:s8], $0x1900  }
0x17e: {  	[sflag:s8] =	ssyncset.done @!p1 $0x0  }
0x17f: {  	s25 =	simm.s32 @!p1 $0x10C10;
	[sflag:s8] =	ssyncadd.s32 @!p1 $0xFFFFE700;
	s8 =	sadd.s32 @!p1 $0x7150, s4  }
0x180: {  	[tilespmem:s25], [sflag:$0x2] =	stream.indirect.gather @!p1 [spmem:s1], $0x80, s8, s6, $0xb8;
	[tilespmem:$0x19DB0] =	vst v63  }
0x181: {  	_ =	swait.ge [sflag:s30], $0x1C00  }
0x182: {  	[sflag:s30] =	ssyncset.done $0x0  }
0x183: {  	s25 =	sadd.s32 $0x640, s23;
	s8 =	simm.s32 @!p1 $0x7;
	[sflag:s30] =	ssyncadd.s32 $0xFFFFE400  }
0x184: {  	[hbm4b:s25+s2] =	stream.linear.scatter [tilespmem:s24], [sflag:$0x7], $0x1900, $0x38;
	[tilespmem:$0x19DB0] =	vst v63  }
0x185: {  	_ =	swait.ge @!p1 [sflag:s8], $0x1900  }
0x186: {  	[sflag:s8] =	ssyncset.done @!p1 $0x0  }
0x187: {  	s4 =	sadd.s32 @!p1 $0x7190, s4;
	[sflag:s8] =	ssyncadd.s32 @!p1 $0xFFFFE700;
	s8 =	simm.s32 @!p1 $0x12810  }
0x188: {  	[tilespmem:s8], [sflag:$0x3] =	stream.indirect.gather @!p1 [spmem:s1], $0x80, s4, s6, $0xb8;
	[tilespmem:$0x19DB0] =	vst v63  }
.Ltmp8:
0x189: {  	_ = 	snop;
	(pc) =	sbr.rel @p1 .LBB2_16-.Ltmp8, $4  }
0x18a: {  	_ =	swait.ge [sflag:s31], $0x1C00  }
0x18b: {  	[sflag:s31] =	ssyncset.done $0x0  }
0x18c: {  	s25 =	sadd.s32 $0x960, s23;
	[sflag:s31] =	ssyncadd.s32 $0xFFFFE400  }
0x18d: {  	[hbm4b:s25+s2] =	stream.linear.scatter [tilespmem:s26], [sflag:$0x8], $0x1900, $0x38;
	[tilespmem:$0x19DB0] =	vst v63  }
.Ltmp9:
0x18e: {  	(pc) =	sbr.rel .LBB2_14-.Ltmp9, $4  }
0x18f: {  	_ =	swait.ge [sflag:s19], $0x1900  }
0x190: {  	s4 =	sshra.s32 s10, $0x2;
	s10 =	sadd.s32 $0x400, s10;
	[sflag:s19] =	ssyncset.done $0x0  }
0x191: {  	s23 =	sadd.s32 $0xC80, s23;
	s4 =	sadd.s32 $0x71D0, s4;
	[sflag:s19] =	ssyncadd.s32 $0xFFFFE700  }
0x192: {  	[tilespmem:s26], [sflag:$0x4] =	stream.indirect.gather [spmem:s1], $0x80, s4, s18, $0xb8;
	[tilespmem:$0x19DB0] =	vst v63  }
.LBB2_17:
0x193: {  	_ =	sfence.sel $0x180000  }
0x194: {  	[bflag:$0x0] =	sbarrier.arrive $0xFFFF  }
0x195: {  	_ =	strace $0x90000047  }
0x196: {  	s0 =	stileid.u32;
	[bflag:$0x2] =	sbarrier.arrive $0xFFFF  }
0x197: {  	p0 =	sne.s32 s0, $0x0;
	s0 =	rddreg [dreg:$0x3]  }
0x198: {  	s0 =	sadd.s32 @!p0 $0x100000, s0  }
0x199: {  	[sflag:s0] =	ssyncadd.tile.s32 @!p0 $0x1;
	_ =	shalt  }
.Lfunc_end2:
_tile_overlayer_lowered:
.L_overlay_start_2:
0x19a: {  	(tag) =	ssettag $0x2  }
0x19b: {  	s0 =	rddreg [dreg:$0x0];
	s2 =	stileid.u32  }
0x19c: {  	s1 =	rddreg [dreg:$0x1];
	p0 =	sne.s32 s2, $0x0  }
0x19d: {  	s3 =	rddreg [dreg:$0x2];
	[bflag:$0x3] =	sbarrier.arrive $0xFFFF;
	s2 =	simm.s32 @!p0 $0x1C09  }
0x19e: {  	[timem:s3], [sflag:s2] =	dma.local @!p0 [hbm:s0], s1  }
0x19f: {  	s0 =	simm.s32 @!p0 $0x9  }
0x1a0: {  	_ =	swait.ge @!p0 [sflag:s0], s1  }
0x1a1: {  	s1 =	ssub.s32 @!p0 $0x0, s1;
	[sflag:s0] =	ssyncset.done @!p0 $0x0  }
0x1a2: {  	[sflag:s0] =	ssyncadd.s32 @!p0 s1  }
0x1a3: {  	[bflag:$0x3] =	sbarrier.arrive $0xFFFF  }
0x1a4: {  	_ =	shalt  }

// kernel: sparse-core-data-format-call.cloned.1.call-start
scs
called_computation_lowered:
.L_overlay_start_0:
0x0: {  	s2 =	sld [smem:$0x3FD9]  }
0x1: {  	s3 =	sld [smem:$0x3FFE];
	_ =	sdelay $0x1  }
0x2: {  	s1 =	srdreg.scid  }
0x3: {  	s0 =	sand.u32 $0x1, s1  }
0x4: {  	s18 =	sshll.u32 s0, $0xA;
	s2 =	sadd.s32 s3, s2  }
0x5: {  	s2 =	sadd.s32 s2, s18  }
0x6: {  	[smem:$0x3FC6] =	sst s2  }
0x7: {  	_ = 	snop  }
0x8: {  	s2 =	sld [smem:$0x3FD0];
	(tm) =	ssettm $0x1  }
0x9: {  	s19 =	sld [smem:$0x3FFB];
	_ =	sdelay $0x3  }
0xa: {  	_ =	strace s19  }
0xb: {  	s3 =	sld [smem:$0x3FFC];
	_ =	sdelay $0x3  }
0xc: {  	_ =	strace s3  }
0xd: {  	s3 =	sld [smem:$0x3FFD];
	_ =	sdelay $0x3  }
0xe: {  	_ =	strace s3  }
0xf: {  	_ =	strace $0x8FFFFFFF  }
0x10: {  	s20 =	sld [smem:$0x3FDB];
	_ =	sdelay $0x1  }
0x11: {  	s4 =	simm.s32 $_scs_section_size  }
0x12: {  	s5 =	simm.s32 $_size__tile_overlayer_lowered;
	s6 =	simm.s32 $_tile_overlayer_lowered  }
0x13: {  	s23 =	simm.s32 $0x1BFF;
	s22 =	sshll.u32 s6, $0x1;
	s3 =	sadd.s32 s4, s20  }
0x14: {  	s7 =	simm.s32 $0x0;
	s21 =	sshll.u32 s5, $0x1;
	s5 =	sadd.s32 s22, s3  }
0x15: {  	[timem:s7], [sflag:s23] =	dma.local [hbm:s5], s21  }
0x16: {  	_ =	swait.ge [sflag:s23], s21  }
0x17: {  	s4 =	ssub.s32 $0x0, s21;
	[sflag:s23] =	ssyncset.done $0x0  }
0x18: {  	[sflag:s23] =	ssyncadd.s32 s4;
	_ =	sdelay $0x1  }
0x19: {  	s24 =	simm.s32 $0x1B8B  }
0x1a: {  	_ =	swait.ge [sflag:s24], $0x1  }
0x1b: {  	[sflag:s24] =	ssyncset.done $0x0  }
0x1c: {  	s26 =	simm.s32 $0x1B8E;
	s25 =	sld [smem:$0x3FFE];
	[sflag:s24] =	ssyncadd.s32 $0xFFFFFFFF  }
0x1d: {  	s27 =	simm.s32 $execute0_lowered;
	[smem:$0x3FD2] =	sst s26  }
0x1e: {  	s5 =	sshll.u32 s27, $0x1;
	_ =	strace $0x80000049;
	[dreg:$0x1] =	wrdreg $0xFFFFFFFF  }
0x1f: {  	s28 =	simm.s32 $_size_execute0_lowered;
	s3 =	sadd.s32 s3, s5;
	[dreg:$0x0] =	wrdreg $0x0  }
0x20: {  	s5 =	sshll.u32 s28, $0x1;
	[dreg:$0x2] =	wrdreg s3  }
0x21: {  	[dreg:$0x3] =	wrdreg s5  }
0x22: {  	[dreg:$0x4] =	wrdreg $0xC0  }
0x23: {  	_ =	task [dreg:s7], $0x5FFFF  }
0x24: {  	[dreg:$0x1] =	wrdreg $0xFFFFFFFF  }
0x25: {  	[dreg:$0x0] =	wrdreg $0x60  }
0x26: {  	[dreg:$0x2] =	wrdreg s25  }
0x27: {  	[dreg:$0x3] =	wrdreg s2  }
0x28: {  	[dreg:$0x4] =	wrdreg $0x9  }
0x29: {  	_ =	task.clear_ibuf [dreg:s7], $0x5FFFF;
	_ =	strace $0x90000049  }
0x2a: {  	s29 =	simm.s32 $0x9;
	_ =	strace $0x8000004B  }
0x2b: {  	_ =	swait.ge [sflag:s29], $0x1  }
0x2c: {  	[sflag:s29] =	ssyncadd.s32 $0xFFFFFFFF  }
0x2d: {  	_ =	strace $0x9000004B  }
0x2e: {  	_ =	sfence  }
0x2f: {  	s30 =	sld [smem:$0x0];
	_ =	sdelay $0x2  }
0x30: {  	s31 =	sshll.u32 s1, $0xD;
	s1 =	sshrl.u32 s1, $0x2  }
0x31: {  	s3 =	sand.u32 $0x4000, s31;
	s1 =	sadd.s32 s1, s30  }
0x32: {  	s0 =	sor.u32 s3, s0;
	s1 =	sshll.u32 s1, $0x11  }
0x33: {  	s0 =	sor.u32 s1, s0  }
0x34: {  	s0 =	sadd.s32 $0x8F2B, s0  }
0x35: {  	[sflag:s0] =	ssyncadd.remote.s32 $0x1  }
0x36: {  	_ =	sfence.sel $0xFFFF  }
0x37: {  	[dreg:$0x0] =	wrdreg $0xFFFFFFFF;
	(pc) =	sbr.abs _section_cstart, $3  }
0x38: {  	[dreg:$0x1] =	wrdreg $0xFFFFFFFF  }
0x39: {  	_ =	task.clear_ibuf [dreg:s7], $0x2FFFF;
	_ =	strace $0x9FFFFFFF  }
0x3a: {  	(tm) =	ssettm $0x7FFFFFFF  }
0x3b: {  	_ =	shalt  }
tec
execute0_lowered:
.L_overlay_start_1:
0x0: {  	(tag) =	ssettag $0x1  }
0x1: {  	s0 =	srdreg.scid  }
0x2: {  	s1 =	sshll.u32 s0, $0x4  }
0x3: {  	s0 =	stileid.u32;
	s1 =	sand.u32 $0x10, s1  }
0x4: {  	s1 =	sor.u32 s0, s1  }
0x5: {  	s6 =	rddreg [dreg:$0x0];
	s4 =	simm.s32 $0x1;
	s2 =	sshll.u32 s1, $0x7  }
0x6: {  	s7 =	simm.s32 $0x2;
	s12 =	simm.s32 $0x0;
	s1 =	ssub.s32 $0x4000, s2  }
0x7: {  	s8 =	simm.s32 $0x20000;
	s13 =	simm.s32 $0x0;
	s3 =	sand.u32 $0xF80, s1  }
0x8: {  	s9 =	simm.s32 $0x0;
	s5 =	sshrl.u32 s1, $0xC;
	p0 =	sne.s32 s3, $0x0  }
.Ltmp0:
0x9: {  	s1 =	rddreg [dreg:$0x2];
	s4 =	simm.s32 @!p0 $0x0;
	(pc) =	sbr.rel .LBB1_1-.Ltmp0, $4  }
0xa: {  	s11 =	simm.s32 $0x0;
	s3 =	rddreg [dreg:$0x1];
	s5 =	sadd.s32 s4, s5  }
0xb: {  	_ =	strace $0x8000004A;
	s4 =	simm.s32 $0x1;
	s5 =	smul.u32 $0x64, s5  }
0xc: {  	s6 =	sadd.s32 $0x800, s6;
	s10 =	smov.u32 s2;
	[sflag:s4] =	ssyncpa.u1 $0x0  }
0xd: {  	p0 =	por $0x0, $0x0;
	[sflag:s7] =	ssyncpa.u1 $0x0;
	s7 =	sor.u32 $0x1, s5  }
.LBB1_4:
0xe: {  	s16 =	sshll.u32 s13, $0x3;
	s17 =	sand.u32 $0x78, s13  }
0xf: {  	s30 =	sand.u32 $0x1F800, s13;
	s12 =	sshll.u32 s12, $0x11;
	s16 =	sand.u32 $0x3C00, s16  }
0x10: {  	[tilespmem:s15+$0x810 ss:$0x81] =	vst.msk $0xffff, v2;
	s31 =	sand.u32 $0x7, s13;
	s16 =	sor.u32 s17, s16;
	s17 =	sadd.s32 s3, s30  }
0x11: {  	[tilespmem:s15+$0x1020 ss:$0x81] =	vst.msk $0xffff, v0;
	s13 =	sshll.u32 s31, $0x12;
	s12 =	sadd.s32 s12, s17;
	s16 =	sshrl.u32 s16, $0x3  }
0x12: {  	[tilespmem:s15+$0x0 ss:$0x81] =	vst.msk $0xffff, v1;
	s13 =	sor.u32 $0x400, s13;
	s12 =	sadd.s32 s16, s12  }
0x13: {  	[hbm4b:s12+s13] =	stream.strided.scatter [tilespmem:s14], [sflag:$0x2], $0x2000, s8, s13, $0x20;
	[tilespmem:$0x8080] =	vst v63  }
.LBB1_5:
0x14: {  	s14 =	sadd.s32 $0x1, s9  }
0x15: {  	s12 =	sadd.s32 $0x1000, s10;
	s16 =	smov.u32 s10;
	p2 =	sgt.s32 s14, $0x63  }
0x16: {  	s16 =	smov.u32 @p2 s12  }
0x17: {  	s14 =	simm.s32 @p2 $0x0;
	p2 =	sgt.s32 s16, $0x3FFF  }
0x18: {  	s16 =	smov.u32 @p2 s2;
	p2 =	sne.s32 s11, s7  }
.Ltmp1:
0x19: {  	p1 =	slt.u32 s11, $0x2;
	(pc) =	sbr.rel @!p2 .LBB1_6-.Ltmp1, $4  }
0x1a: {  	s15 =	simm.s32 @!p1 $0x2  }
0x1b: {  	s13 =	smov.u32 s10;
	p0 =	por !p0, !p0;
	_ =	swait.ge @!p1 [sflag:s15], $0x2000  }
0x1c: {  	s12 =	smov.u32 s9;
	[sflag:s15] =	ssyncset.done @!p1 $0x0;
	s9 =	smov.u32 s14  }
0x1d: {  	s11 =	sadd.s32 $0x1, s11;
	[sflag:s15] =	ssyncadd.s32 @!p1 $0xFFFFE000;
	s10 =	smov.u32 s16  }
.LBB1_1:
0x1e: {  	p1 =	sge.u32 s11, s5  }
0x1f: {  	s14 =	sand.u32 @!p1 $0x1FFFFFF, s9  }
0x20: {  	s15 =	smulhi.u32 @!p1 $0x2762763, s14;
	_ =	sdelay $0x1  }
0x21: {  	s15 =	smul.u32 @!p1 $0x68, s15  }
0x22: {  	s16 =	sxor.u32 @!p1 $0xFFFFFFFF, s11;
	s17 =	smul.u32 @!p1 $0x680, s10  }
0x23: {  	s31 =	sadd.s32 $0xFFFFFFFF, s11;
	s16 =	sshll.u32 @!p1 s16, $0xD;
	s14 =	ssub.s32 @!p1 s14, s15  }
0x24: {  	s15 =	sand.u32 @!p1 $0x2000, s16;
	s16 =	sadd.s32 @!p1 s6, s17;
	s14 =	sshll.u32 @!p1 s14, $0x4  }
0x25: {  	s17 =	simm.s32 @!p1 $0x3400;
	s14 =	sadd.s32 @!p1 s14, s16;
	s16 =	simm.s32 @!p1 $0x40  }
0x26: {  	[tilespmem:s15], [sflag:$0x1] =	stream.strided.gather @!p1 [hbm4b:s14+s16], $0x2000, s17, s16, $0x38;
	[tilespmem:$0x8080] =	vst v63  }
0x27: {  	p1 =	sge.u32 s31, s5  }
.Ltmp2:
0x28: {  	_ = 	snop;
	(pc) =	sbr.rel @p1 .LBB1_5-.Ltmp2, $1  }
0x29: {  	_ =	sdelay $0x3  }
0x2a: {  	s14 =	simm.s32 $0x1  }
0x2b: {  	_ =	swait.ge [sflag:s4], $0x2000;
	s14 =	simm.s32 @!p0 $0x0  }
0x2c: {  	[sflag:s4] =	ssyncset.done $0x0;
	s15 =	sshll.u32 s14, $0xD  }
0x2d: {  	[sflag:s4] =	ssyncadd.s32 $0xFFFFE000;
	s18 =	sor.u32 $0x20, s15  }
0x2e: {  	s14 =	smul.u32 $0x8100, s14;
	v3 =	vld [tilespmem:s18+$0x10]  }
0x2f: {  	s30 =	sand.u32 $0x1, s11;
	v2 =	vld [tilespmem:s18+$0xFFFFFFF0]  }
0x30: {  	s15 =	smul.u32 $0x8100, s30;
	s14 =	sshrl.u32 s14, $0x2;
	v0 =	vld [tilespmem:s18+$0x0]  }
0x31: {  	v1 =	vld [tilespmem:s18+$0xFFFFFFE0];
	s16 =	sor.u32 $0x4000, s14  }
0x32: {  	s31 =	sshrl.u32 s15, $0x2;
	s15 =	sadd.s32 $0x0, s16  }
0x33: {  	s17 =	simm.s32 $0x4;
	s18 =	sadd.s32 $0x40, s18;
	s14 =	sor.u32 $0x4000, s31;
	[tilespmem:s15+$0x1830 ss:$0x81] =	vst.msk $0xffff, v3  }
.LBB1_3:
0x34: {  	v3 =	vld [tilespmem:s18+$0x10];
	p1 =	sne.s32 s17, $0x1FC;
	[tilespmem:s15+$0x810 ss:$0x81] =	vst.msk $0xffff, v2;
	s19 =	smov.u32 s17;
	s17 =	sadd.s32 $0x4, s17  }
.Ltmp3:
0x35: {  	v2 =	vld [tilespmem:s18+$0xFFFFFFF0];
	[tilespmem:s15+$0x1020 ss:$0x81] =	vst.msk $0xffff, v0;
	(pc) =	sbr.rel @p1 .LBB1_3-.Ltmp3, $4  }
0x36: {  	v0 =	vld [tilespmem:s18+$0x0];
	[tilespmem:s15+$0x0 ss:$0x81] =	vst.msk $0xffff, v1  }
0x37: {  	s15 =	sshra.s32 s19, $0x2;
	v1 =	vld [tilespmem:s18+$0xFFFFFFE0]  }
0x38: {  	s15 =	sadd.s32 s15, s16  }
0x39: {  	s18 =	sadd.s32 $0x40, s18;
	[tilespmem:s15+$0x1830 ss:$0x81] =	vst.msk $0xffff, v3  }
.Ltmp4:
0x3a: {  	_ = 	snop;
	(pc) =	sbr.rel .LBB1_4-.Ltmp4, $1  }
0x3b: {  	_ =	sdelay $0x3  }
.LBB1_6:
0x3c: {  	_ =	sfence.sel $0x180000  }
0x3d: {  	s2 =	simm.s32 $0x1;
	[bflag:$0x0] =	sbarrier.arrive $0xFFFF  }
0x3e: {  	s31 =	simm.s32 $0x2;
	[sflag:s2] =	ssyncpa.u1 $0x1  }
0x3f: {  	[sflag:s31] =	ssyncpa.u1 $0x1  }
0x40: {  	p0 =	sne.s32 s0, $0x0;
	_ =	strace $0x9000004A  }
0x41: {  	s0 =	sadd.s32 @!p0 $0x100000, s1;
	[bflag:$0x2] =	sbarrier.arrive $0xFFFF  }
0x42: {  	[sflag:s0] =	ssyncadd.tile.s32 @!p0 $0x1;
	_ =	shalt  }
.Lfunc_end1:
_tile_overlayer_lowered:
.L_overlay_start_2:
0x43: {  	(tag) =	ssettag $0x2  }
0x44: {  	s0 =	rddreg [dreg:$0x0];
	s2 =	stileid.u32  }
0x45: {  	s1 =	rddreg [dreg:$0x1];
	p0 =	sne.s32 s2, $0x0  }
0x46: {  	s3 =	rddreg [dreg:$0x2];
	[bflag:$0x3] =	sbarrier.arrive $0xFFFF;
	s2 =	simm.s32 @!p0 $0x1C01  }
0x47: {  	[timem:s3], [sflag:s2] =	dma.local @!p0 [hbm:s0], s1  }
0x48: {  	s0 =	simm.s32 @!p0 $0x1  }
0x49: {  	_ =	swait.ge @!p0 [sflag:s0], s1  }
0x4a: {  	s1 =	ssub.s32 @!p0 $0x0, s1;
	[sflag:s0] =	ssyncset.done @!p0 $0x0  }
0x4b: {  	[sflag:s0] =	ssyncadd.s32 @!p0 s1  }
0x4c: {  	[bflag:$0x3] =	sbarrier.arrive $0xFFFF  }
0x4d: {  	_ =	shalt  }

</sc_bundles>
